<compile_context>
chip_gen: v7x
topology: tpu7x:2x2x1
jax: 0.10.2.dev20260603
libtpu: 0.0.44.dev20260713+nightly
codegen_flags: <defaults>
</compile_context>

<pallas_src>
import functools
import math

import jax
import jax.numpy as jnp
from jax import lax
from jax.experimental import pallas as pl
from jax.experimental.pallas import tpu as pltpu
from jax.experimental.pallas import tpu_sc as plsc

D_MODEL = 128
NUM_NODES = 10000
NUM_EDGES = 320000
SCALE = math.sqrt(float(D_MODEL))

NC = 2
NS = 16
NW = NC * NS

N_PER_W = 320
N_LAST = NUM_NODES - 31 * N_PER_W
E_PER_W = NUM_EDGES // NW

CHG = 360
CHB = 40
ROUND = CHG + CHB
ROUNDS = E_PER_W // ROUND
PAIRS = ROUNDS // 2


def _scale_body(ntab_ref, etab_ref, nout_ref, eout_ref):
    nout_ref[...] = ntab_ref[...] * SCALE
    eout_ref[...] = etab_ref[...] * SCALE


def _scale_tables(node_table, edge_table):
    return pl.pallas_call(
        _scale_body,
        out_shape=(
            jax.ShapeDtypeStruct((NUM_NODES, D_MODEL), jnp.float32),
            jax.ShapeDtypeStruct((16, D_MODEL), jnp.float32),
        ),
    )(node_table, edge_table)


def _gather_body(nidx_hbm, eidx_hbm, ntab_hbm, etab_hbm,
                 nout_hbm, eout_hbm,
                 nidx_v, eidx_v, etab_v, etab_sh, g0, g1, b0, b1,
                 gsem0, gsem1, sg0, sg1, sb0, sb1, gbsem0, gbsem1):
    c = lax.axis_index("c")
    s = lax.axis_index("s")
    wid = s * NC + c

    ebase = wid * E_PER_W

    pltpu.sync_copy(eidx_hbm.at[pl.ds(ebase, E_PER_W)],
                    eidx_v.at[pl.ds(0, E_PER_W)])
    pltpu.sync_copy(etab_hbm, etab_v)

    @pl.when(s == 0)
    def _():
        pltpu.sync_copy(etab_hbm, etab_sh)

    plsc.subcore_barrier()

    @pl.when(wid < 31)
    def _():
        nbase = wid * N_PER_W
        pltpu.sync_copy(nidx_hbm.at[pl.ds(nbase, N_PER_W)], nidx_v)
        h = N_PER_W // 2
        pltpu.async_copy(ntab_hbm.at[nidx_v.at[pl.ds(0, h)]],
                         g0.at[pl.ds(0, h)], gsem0)
        pltpu.async_copy(ntab_hbm.at[nidx_v.at[pl.ds(h, h)]],
                         g1.at[pl.ds(0, h)], gsem1)
        pltpu.make_async_copy(ntab_hbm.at[nidx_v.at[pl.ds(0, h)]],
                              g0.at[pl.ds(0, h)], gsem0).wait()
        pltpu.make_async_copy(ntab_hbm.at[nidx_v.at[pl.ds(h, h)]],
                              g1.at[pl.ds(0, h)], gsem1).wait()
        pltpu.async_copy(g0.at[pl.ds(0, h)],
                         nout_hbm.at[pl.ds(nbase, h)], gsem0)
        pltpu.async_copy(g1.at[pl.ds(0, h)],
                         nout_hbm.at[pl.ds(nbase + h, h)], gsem1)
        pltpu.make_async_copy(g0.at[pl.ds(0, h)],
                              nout_hbm.at[pl.ds(nbase, h)], gsem0).wait()
        pltpu.make_async_copy(g1.at[pl.ds(0, h)],
                              nout_hbm.at[pl.ds(nbase + h, h)], gsem1).wait()

    @pl.when(wid == 31)
    def _():
        nbase = 31 * N_PER_W
        pltpu.sync_copy(nidx_hbm.at[pl.ds(nbase, N_LAST)],
                        nidx_v.at[pl.ds(0, N_LAST)])
        pltpu.async_copy(ntab_hbm.at[nidx_v.at[pl.ds(0, N_LAST)]],
                         g0.at[pl.ds(0, N_LAST)], gsem0)
        pltpu.make_async_copy(ntab_hbm.at[nidx_v.at[pl.ds(0, N_LAST)]],
                              g0.at[pl.ds(0, N_LAST)], gsem0).wait()
        pltpu.async_copy(g0.at[pl.ds(0, N_LAST)],
                         nout_hbm.at[pl.ds(nbase, N_LAST)], gsem0)
        pltpu.make_async_copy(g0.at[pl.ds(0, N_LAST)],
                              nout_hbm.at[pl.ds(nbase, N_LAST)], gsem0).wait()

    def build(buf, ioff):

        def rowgroup(g, carry):
            r0 = g * 8
            tvec = eidx_v[pl.ds(ioff + r0, 16)]
            for j in range(8):
                t = tvec[j]
                for cb in range(8):
                    sl = pl.ds(cb * 16, 16)
                    buf[r0 + j, sl] = etab_v[t, sl]
            return carry

        lax.fori_loop(0, CHB // 8, rowgroup, 0)

    def goff(r):
        return pl.multiple_of(r * ROUND, 8)

    def boff(r):
        return pl.multiple_of(r * ROUND + CHG, 8)

    def gstart(buf, sem, r):
        pltpu.async_copy(etab_sh.at[eidx_v.at[pl.ds(goff(r), CHG)]], buf, sem)

    def gwait(buf, sem):
        pltpu.make_async_copy(etab_sh.at[eidx_v.at[pl.ds(0, CHG)]], buf,
                              sem).wait()

    def gbstart(buf, sem, r):
        pltpu.async_copy(etab_sh.at[eidx_v.at[pl.ds(boff(r), CHB)]], buf, sem)

    def gbwait(buf, sem):
        pltpu.make_async_copy(etab_sh.at[eidx_v.at[pl.ds(0, CHB)]], buf,
                              sem).wait()

    def sstart(buf, n, sem, ioff):
        pltpu.async_copy(buf, eout_hbm.at[pl.ds(ebase + ioff, n)], sem)

    def swait(buf, n, sem):
        pltpu.make_async_copy(buf, eout_hbm.at[pl.ds(ebase, n)], sem).wait()

    gstart(g0, gsem0, 0)

    def pair(p, carry):
        r0 = 2 * p
        r1 = r0 + 1

        @pl.when(p > 0)
        def _():
            swait(g1, CHG, sg1)
            swait(b0, CHB, sb0)

        gstart(g1, gsem1, r1)
        gbstart(b0, gbsem0, r0)
        gwait(g0, gsem0)
        sstart(g0, CHG, sg0, goff(r0))
        gbwait(b0, gbsem0)
        sstart(b0, CHB, sb0, boff(r0))

        @pl.when(p > 0)
        def _():
            swait(b1, CHB, sb1)

        gbstart(b1, gbsem1, r1)
        gwait(g1, gsem1)
        sstart(g1, CHG, sg1, goff(r1))
        gbwait(b1, gbsem1)
        sstart(b1, CHB, sb1, boff(r1))

        swait(g0, CHG, sg0)
        gstart(g0, gsem0, r0 + 2)
        return carry

    lax.fori_loop(0, PAIRS, pair, 0)

    r = ROUNDS - 1
    swait(b0, CHB, sb0)
    gbstart(b0, gbsem0, r)
    gwait(g0, gsem0)
    sstart(g0, CHG, sg0, goff(r))
    gbwait(b0, gbsem0)
    sstart(b0, CHB, sb0, boff(r))

    swait(g1, CHG, sg1)
    swait(b1, CHB, sb1)
    swait(g0, CHG, sg0)
    swait(b0, CHB, sb0)


def kernel(node_indices, edge_indices, edge_type_indices, node_table,
           edge_table):
    del edge_indices
    ntab_s, etab_s = _scale_tables(node_table, edge_table)

    nidx = node_indices.astype(jnp.int32)
    eidx = edge_type_indices.astype(jnp.int32)

    mesh = plsc.VectorSubcoreMesh(core_axis_name="c", subcore_axis_name="s")
    gather = functools.partial(
        pl.kernel,
        mesh=mesh,
        out_type=(
            jax.ShapeDtypeStruct((NUM_NODES, D_MODEL), jnp.float32),
            jax.ShapeDtypeStruct((NUM_EDGES, D_MODEL), jnp.float32),
        ),
        scratch_types=[
            pltpu.VMEM((N_PER_W,), jnp.int32),
            pltpu.VMEM((E_PER_W + 16,), jnp.int32),
            pltpu.VMEM((16, D_MODEL), jnp.float32),
            pltpu.VMEM_SHARED((16, D_MODEL), jnp.float32),
            pltpu.VMEM((CHG, D_MODEL), jnp.float32),
            pltpu.VMEM((CHG, D_MODEL), jnp.float32),
            pltpu.VMEM((CHB, D_MODEL), jnp.float32),
            pltpu.VMEM((CHB, D_MODEL), jnp.float32),
            pltpu.SemaphoreType.DMA,
            pltpu.SemaphoreType.DMA,
            pltpu.SemaphoreType.DMA,
            pltpu.SemaphoreType.DMA,
            pltpu.SemaphoreType.DMA,
            pltpu.SemaphoreType.DMA,
            pltpu.SemaphoreType.DMA,
            pltpu.SemaphoreType.DMA,
        ],
    )(_gather_body)

    nout, eout = gather(nidx, eidx, ntab_s, etab_s)
    return (nout, eout)

# --- scband reference (transcript-rebuilt; emitter-appended) ---
"""Pipeline reference for scband-graph-embeddings-70755291234725 (READ-ONLY COPY).

The authoritative reference and input builder live on the scoring server;
editing this copy changes nothing except your own understanding.
"""

import jax, jax.numpy as jnp
import numpy as np
import math

D_MODEL = 128
NUM_NODES = 10000
NUM_EDGE_TYPES = 16
NUM_EDGES = 320000

def setup_inputs(seed: int = 0) -> dict:
    key = jax.random.key(seed)
    k1, k2, k3, k4, k5 = jax.random.split(key, 5)
    node_indices = jax.random.randint(k1, (NUM_NODES,), 0, NUM_NODES, dtype=jnp.int64) if jax.config.jax_enable_x64 else jax.random.randint(k1, (NUM_NODES,), 0, NUM_NODES, dtype=jnp.int32)
    edge_indices = jax.random.randint(k2, (2, NUM_EDGES), 0, NUM_NODES, dtype=jnp.int32)
    edge_type_indices = jax.random.randint(k3, (NUM_EDGES,), 0, NUM_EDGE_TYPES, dtype=jnp.int32)
    node_table = jax.random.normal(k4, (NUM_NODES, D_MODEL), dtype=jnp.float32)
    edge_table = jax.random.normal(k5, (NUM_EDGE_TYPES, D_MODEL), dtype=jnp.float32)
    return {
        "node_indices": node_indices,
        "edge_indices": edge_indices,
        "edge_type_indices": edge_type_indices,
        "node_table": node_table,
        "edge_table": edge_table,
    }

def reference(node_indices, edge_indices, edge_type_indices, node_table, edge_table):
    scale = float(math.sqrt(node_table.shape[1]))
    node_embedded = jnp.take(node_table, node_indices, axis=0) * scale
    edge_embedded = jnp.take(edge_table, edge_type_indices, axis=0) * scale
    return (node_embedded, edge_embedded)

if __name__ == "__main__":
    import jax
    _d = setup_inputs()
    print(jax.jit(kernel)(*tuple(_d.values())))

</pallas_src>

<mosaic_0001>
#map = affine_map<(d0, d1) -> (0)>
#map1 = affine_map<(d0, d1) -> (0, 0)>
module attributes {stable_mosaic.version = 14 : i64} {
  func.func @_gather_body(%arg0: i32, %arg1: i32, %arg2: memref<10000xi32, #tpu.memory_space<hbm>>, %arg3: memref<320000xi32, #tpu.memory_space<hbm>>, %arg4: memref<10000x128xf32, #tpu.memory_space<hbm>>, %arg5: memref<16x128xf32, #tpu.memory_space<hbm>>, %arg6: memref<10000x128xf32, #tpu.memory_space<hbm>>, %arg7: memref<320000x128xf32, #tpu.memory_space<hbm>>, %arg8: memref<320xi32, #tpu.memory_space<vmem>>, %arg9: memref<10016xi32, #tpu.memory_space<vmem>>, %arg10: memref<16x128xf32, #tpu.memory_space<vmem>>, %arg11: memref<16x128xf32, #tpu.memory_space<vmem_shared>>, %arg12: memref<360x128xf32, #tpu.memory_space<vmem>>, %arg13: memref<360x128xf32, #tpu.memory_space<vmem>>, %arg14: memref<40x128xf32, #tpu.memory_space<vmem>>, %arg15: memref<40x128xf32, #tpu.memory_space<vmem>>, %arg16: memref<!tpu.dma_semaphore, #tpu.memory_space<semaphore_mem>>, %arg17: memref<!tpu.dma_semaphore, #tpu.memory_space<semaphore_mem>>, %arg18: memref<!tpu.dma_semaphore, #tpu.memory_space<semaphore_mem>>, %arg19: memref<!tpu.dma_semaphore, #tpu.memory_space<semaphore_mem>>, %arg20: memref<!tpu.dma_semaphore, #tpu.memory_space<semaphore_mem>>, %arg21: memref<!tpu.dma_semaphore, #tpu.memory_space<semaphore_mem>>, %arg22: memref<!tpu.dma_semaphore, #tpu.memory_space<semaphore_mem>>, %arg23: memref<!tpu.dma_semaphore, #tpu.memory_space<semaphore_mem>>) attributes {dimension_semantics = [#tpu.dimension_semantics<core_parallel>, #tpu.dimension_semantics<subcore_parallel>], iteration_bounds = array<i64: 2, 16>, scalar_prefetch = 0 : i64, scratch_operands = 16 : i64, tpu.core_type = #tpu.core_type<sc_vector_subcore>, window_params = [{transform_indices = #map}, {transform_indices = #map}, {transform_indices = #map1}, {transform_indices = #map1}, {transform_indices = #map1}, {transform_indices = #map1}]} {
    %mul3A = arith.constant 2 : i32
    %mul3A_0 = arith.muli %arg1, %mul3A : i32
    %add3A = arith.addi %mul3A_0, %arg0 : i32
    %mul3A_1 = arith.constant 10000 : i32
    %mul3A_2 = arith.muli %add3A, %mul3A_1 : i32
    "tpu.region"() ({
      %run_scoped3A = tpu.sem_alloc : memref<!tpu.dma_semaphore, #tpu.memory_space<semaphore_mem>>
      %dma_start3A_72 = arith.constant 0 : i32
      %dma_start3A_73 = tpu.memref_slice %arg9[%dma_start3A_72] : memref<10016xi32, #tpu.memory_space<vmem>> -> memref<10000xi32, #tpu.memory_space<vmem>>
      %dma_start3A_74 = tpu.memref_slice %arg3[%mul3A_2] : memref<320000xi32, #tpu.memory_space<hbm>> -> memref<10000xi32, #tpu.memory_space<hbm>>
      %dma_start3A_75 = arith.constant 0 : i32
      %dma_start3A_76 = tpu.memref_slice %arg9[%dma_start3A_75] : memref<10016xi32, #tpu.memory_space<vmem>> -> memref<10000xi32, #tpu.memory_space<vmem>>
      %dma_start3A_77 = tpu.memref_slice %arg3[%mul3A_2] : memref<320000xi32, #tpu.memory_space<hbm>> -> memref<10000xi32, #tpu.memory_space<hbm>>
      tpu.enqueue_dma source(%dma_start3A_77 : memref<10000xi32, #tpu.memory_space<hbm>>) target(%dma_start3A_76 : memref<10000xi32, #tpu.memory_space<vmem>>) target_semaphore(%run_scoped3A : memref<!tpu.dma_semaphore, #tpu.memory_space<semaphore_mem>>)
      %dma_wait3A_78 = arith.constant 0 : i32
      %dma_wait3A_79 = tpu.memref_slice %arg9[%dma_wait3A_78] : memref<10016xi32, #tpu.memory_space<vmem>> -> memref<10000xi32, #tpu.memory_space<vmem>>
      %dma_wait3A_80 = tpu.memref_slice %arg3[%mul3A_2] : memref<320000xi32, #tpu.memory_space<hbm>> -> memref<10000xi32, #tpu.memory_space<hbm>>
      %dma_wait3A_81 = arith.constant 0 : i32
      %dma_wait3A_82 = tpu.memref_slice %arg9[%dma_wait3A_81] : memref<10016xi32, #tpu.memory_space<vmem>> -> memref<10000xi32, #tpu.memory_space<vmem>>
      %dma_wait3A_83 = tpu.memref_slice %arg3[%mul3A_2] : memref<320000xi32, #tpu.memory_space<hbm>> -> memref<10000xi32, #tpu.memory_space<hbm>>
      tpu.wait_dma2 semaphore(%run_scoped3A : memref<!tpu.dma_semaphore, #tpu.memory_space<semaphore_mem>>) src(%dma_wait3A_83 : memref<10000xi32, #tpu.memory_space<hbm>>) dst(%dma_wait3A_82 : memref<10000xi32, #tpu.memory_space<vmem>>)
      tpu.yield
    }) : () -> ()
    "tpu.region"() ({
      %run_scoped3A = tpu.sem_alloc : memref<!tpu.dma_semaphore, #tpu.memory_space<semaphore_mem>>
      tpu.enqueue_dma source(%arg5 : memref<16x128xf32, #tpu.memory_space<hbm>>) target(%arg10 : memref<16x128xf32, #tpu.memory_space<vmem>>) target_semaphore(%run_scoped3A : memref<!tpu.dma_semaphore, #tpu.memory_space<semaphore_mem>>)
      tpu.wait_dma2 semaphore(%run_scoped3A : memref<!tpu.dma_semaphore, #tpu.memory_space<semaphore_mem>>) src(%arg5 : memref<16x128xf32, #tpu.memory_space<hbm>>) dst(%arg10 : memref<16x128xf32, #tpu.memory_space<vmem>>)
      tpu.yield
    }) : () -> ()
    %eq3A = arith.constant 0 : i32
    %eq3A_3 = arith.cmpi eq, %arg1, %eq3A : i32
    %convert_element_type3A = arith.extui %eq3A_3 : i1 to i32
    %cond3A = arith.constant 0 : i32
    %cond3A_4 = arith.cmpi ne, %convert_element_type3A, %cond3A : i32
    scf.if %cond3A_4 {
      "tpu.region"() ({
        %run_scoped3A = tpu.sem_alloc : memref<!tpu.dma_semaphore, #tpu.memory_space<semaphore_mem>>
        tpu.enqueue_dma source(%arg5 : memref<16x128xf32, #tpu.memory_space<hbm>>) target(%arg11 : memref<16x128xf32, #tpu.memory_space<vmem_shared>>) target_semaphore(%run_scoped3A : memref<!tpu.dma_semaphore, #tpu.memory_space<semaphore_mem>>)
        tpu.wait_dma2 semaphore(%run_scoped3A : memref<!tpu.dma_semaphore, #tpu.memory_space<semaphore_mem>>) src(%arg5 : memref<16x128xf32, #tpu.memory_space<hbm>>) dst(%arg11 : memref<16x128xf32, #tpu.memory_space<vmem_shared>>)
        tpu.yield
      }) : () -> ()
    } else {
    }
    %barrier3A = arith.constant 0 : index
    tpu.barrier barrier_id(%barrier3A)
    %lt3A = arith.constant 31 : i32
    %lt3A_5 = arith.cmpi slt, %add3A, %lt3A : i32
    %convert_element_type3A_6 = arith.extui %lt3A_5 : i1 to i32
    %cond3A_7 = arith.constant 0 : i32
    %cond3A_8 = arith.cmpi ne, %convert_element_type3A_6, %cond3A_7 : i32
    scf.if %cond3A_8 {
      %mul3A_72 = arith.constant 320 : i32
      %mul3A_73 = arith.muli %add3A, %mul3A_72 : i32
      "tpu.region"() ({
        %run_scoped3A = tpu.sem_alloc : memref<!tpu.dma_semaphore, #tpu.memory_space<semaphore_mem>>
        %dma_start3A_150 = tpu.memref_slice %arg2[%mul3A_73] : memref<10000xi32, #tpu.memory_space<hbm>> -> memref<320xi32, #tpu.memory_space<hbm>>
        %dma_start3A_151 = tpu.memref_slice %arg2[%mul3A_73] : memref<10000xi32, #tpu.memory_space<hbm>> -> memref<320xi32, #tpu.memory_space<hbm>>
        tpu.enqueue_dma source(%dma_start3A_151 : memref<320xi32, #tpu.memory_space<hbm>>) target(%arg8 : memref<320xi32, #tpu.memory_space<vmem>>) target_semaphore(%run_scoped3A : memref<!tpu.dma_semaphore, #tpu.memory_space<semaphore_mem>>)
        %dma_wait3A_152 = tpu.memref_slice %arg2[%mul3A_73] : memref<10000xi32, #tpu.memory_space<hbm>> -> memref<320xi32, #tpu.memory_space<hbm>>
        %dma_wait3A_153 = tpu.memref_slice %arg2[%mul3A_73] : memref<10000xi32, #tpu.memory_space<hbm>> -> memref<320xi32, #tpu.memory_space<hbm>>
        tpu.wait_dma2 semaphore(%run_scoped3A : memref<!tpu.dma_semaphore, #tpu.memory_space<semaphore_mem>>) src(%dma_wait3A_153 : memref<320xi32, #tpu.memory_space<hbm>>) dst(%arg8 : memref<320xi32, #tpu.memory_space<vmem>>)
        tpu.yield
      }) : () -> ()
      %dma_start3A_74 = arith.constant 0 : i32
      %dma_start3A_75 = arith.constant 0 : i32
      %dma_start3A_76 = tpu.memref_slice %arg12[%dma_start3A_74, %dma_start3A_75] : memref<360x128xf32, #tpu.memory_space<vmem>> -> memref<160x128xf32, #tpu.memory_space<vmem>>
      %dma_start3A_77 = arith.constant 0 : i32
      %dma_start3A_78 = tpu.memref_slice %arg8[%dma_start3A_77] : memref<320xi32, #tpu.memory_space<vmem>> -> memref<160xi32, #tpu.memory_space<vmem>>
      %dma_start3A_79 = arith.constant 0 : i32
      %dma_start3A_80 = arith.constant 0 : i32
      %dma_start3A_81 = tpu.memref_slice %arg4[%dma_start3A_79, %dma_start3A_80] : memref<10000x128xf32, #tpu.memory_space<hbm>> -> memref<10000x128xf32, #tpu.memory_space<hbm>>
      tpu.enqueue_indirect_dma source(%dma_start3A_81 : memref<10000x128xf32, #tpu.memory_space<hbm>>) target(%dma_start3A_76 : memref<160x128xf32, #tpu.memory_space<vmem>>) offsets(%dma_start3A_78 : memref<160xi32, #tpu.memory_space<vmem>>) semaphore(%arg16 : memref<!tpu.dma_semaphore, #tpu.memory_space<semaphore_mem>>)
      %dma_start3A_82 = arith.constant 0 : i32
      %dma_start3A_83 = arith.constant 0 : i32
      %dma_start3A_84 = tpu.memref_slice %arg13[%dma_start3A_82, %dma_start3A_83] : memref<360x128xf32, #tpu.memory_space<vmem>> -> memref<160x128xf32, #tpu.memory_space<vmem>>
      %dma_start3A_85 = arith.constant 160 : i32
      %dma_start3A_86 = tpu.memref_slice %arg8[%dma_start3A_85] : memref<320xi32, #tpu.memory_space<vmem>> -> memref<160xi32, #tpu.memory_space<vmem>>
      %dma_start3A_87 = arith.constant 0 : i32
      %dma_start3A_88 = arith.constant 0 : i32
      %dma_start3A_89 = tpu.memref_slice %arg4[%dma_start3A_87, %dma_start3A_88] : memref<10000x128xf32, #tpu.memory_space<hbm>> -> memref<10000x128xf32, #tpu.memory_space<hbm>>
      tpu.enqueue_indirect_dma source(%dma_start3A_89 : memref<10000x128xf32, #tpu.memory_space<hbm>>) target(%dma_start3A_84 : memref<160x128xf32, #tpu.memory_space<vmem>>) offsets(%dma_start3A_86 : memref<160xi32, #tpu.memory_space<vmem>>) semaphore(%arg17 : memref<!tpu.dma_semaphore, #tpu.memory_space<semaphore_mem>>)
      %dma_wait3A_90 = arith.constant 0 : i32
      %dma_wait3A_91 = arith.constant 0 : i32
      %dma_wait3A_92 = tpu.memref_slice %arg12[%dma_wait3A_90, %dma_wait3A_91] : memref<360x128xf32, #tpu.memory_space<vmem>> -> memref<160x128xf32, #tpu.memory_space<vmem>>
      %dma_wait3A_93 = arith.constant 0 : i32
      %dma_wait3A_94 = tpu.memref_slice %arg8[%dma_wait3A_93] : memref<320xi32, #tpu.memory_space<vmem>> -> memref<160xi32, #tpu.memory_space<vmem>>
      %dma_wait3A_95 = arith.constant 0 : i32
      %dma_wait3A_96 = arith.constant 0 : i32
      %dma_wait3A_97 = tpu.memref_slice %arg4[%dma_wait3A_95, %dma_wait3A_96] : memref<10000x128xf32, #tpu.memory_space<hbm>> -> memref<10000x128xf32, #tpu.memory_space<hbm>>
      tpu.wait_indirect_dma semaphore(%arg16 : memref<!tpu.dma_semaphore, #tpu.memory_space<semaphore_mem>>) src(%dma_wait3A_97 : memref<10000x128xf32, #tpu.memory_space<hbm>>) dst(%dma_wait3A_92 : memref<160x128xf32, #tpu.memory_space<vmem>>)
      %dma_wait3A_98 = arith.constant 0 : i32
      %dma_wait3A_99 = arith.constant 0 : i32
      %dma_wait3A_100 = tpu.memref_slice %arg13[%dma_wait3A_98, %dma_wait3A_99] : memref<360x128xf32, #tpu.memory_space<vmem>> -> memref<160x128xf32, #tpu.memory_space<vmem>>
      %dma_wait3A_101 = arith.constant 160 : i32
      %dma_wait3A_102 = tpu.memref_slice %arg8[%dma_wait3A_101] : memref<320xi32, #tpu.memory_space<vmem>> -> memref<160xi32, #tpu.memory_space<vmem>>
      %dma_wait3A_103 = arith.constant 0 : i32
      %dma_wait3A_104 = arith.constant 0 : i32
      %dma_wait3A_105 = tpu.memref_slice %arg4[%dma_wait3A_103, %dma_wait3A_104] : memref<10000x128xf32, #tpu.memory_space<hbm>> -> memref<10000x128xf32, #tpu.memory_space<hbm>>
      tpu.wait_indirect_dma semaphore(%arg17 : memref<!tpu.dma_semaphore, #tpu.memory_space<semaphore_mem>>) src(%dma_wait3A_105 : memref<10000x128xf32, #tpu.memory_space<hbm>>) dst(%dma_wait3A_100 : memref<160x128xf32, #tpu.memory_space<vmem>>)
      %dma_start3A_106 = arith.constant 0 : i32
      %dma_start3A_107 = arith.constant 0 : i32
      %dma_start3A_108 = tpu.memref_slice %arg12[%dma_start3A_106, %dma_start3A_107] : memref<360x128xf32, #tpu.memory_space<vmem>> -> memref<160x128xf32, #tpu.memory_space<vmem>>
      %dma_start3A_109 = arith.constant 0 : i32
      %dma_start3A_110 = tpu.memref_slice %arg6[%mul3A_73, %dma_start3A_109] : memref<10000x128xf32, #tpu.memory_space<hbm>> -> memref<160x128xf32, #tpu.memory_space<hbm>>
      %dma_start3A_111 = arith.constant 0 : i32
      %dma_start3A_112 = tpu.memref_slice %arg6[%mul3A_73, %dma_start3A_111] : memref<10000x128xf32, #tpu.memory_space<hbm>> -> memref<160x128xf32, #tpu.memory_space<hbm>>
      %dma_start3A_113 = arith.constant 0 : i32
      %dma_start3A_114 = arith.constant 0 : i32
      %dma_start3A_115 = tpu.memref_slice %arg12[%dma_start3A_113, %dma_start3A_114] : memref<360x128xf32, #tpu.memory_space<vmem>> -> memref<160x128xf32, #tpu.memory_space<vmem>>
      tpu.enqueue_dma source(%dma_start3A_115 : memref<160x128xf32, #tpu.memory_space<vmem>>) target(%dma_start3A_112 : memref<160x128xf32, #tpu.memory_space<hbm>>) target_semaphore(%arg16 : memref<!tpu.dma_semaphore, #tpu.memory_space<semaphore_mem>>)
      %add3A_116 = arith.constant 160 : i32
      %add3A_117 = arith.addi %mul3A_73, %add3A_116 : i32
      %dma_start3A_118 = arith.constant 0 : i32
      %dma_start3A_119 = arith.constant 0 : i32
      %dma_start3A_120 = tpu.memref_slice %arg13[%dma_start3A_118, %dma_start3A_119] : memref<360x128xf32, #tpu.memory_space<vmem>> -> memref<160x128xf32, #tpu.memory_space<vmem>>
      %dma_start3A_121 = arith.constant 0 : i32
      %dma_start3A_122 = tpu.memref_slice %arg6[%add3A_117, %dma_start3A_121] : memref<10000x128xf32, #tpu.memory_space<hbm>> -> memref<160x128xf32, #tpu.memory_space<hbm>>
      %dma_start3A_123 = arith.constant 0 : i32
      %dma_start3A_124 = tpu.memref_slice %arg6[%add3A_117, %dma_start3A_123] : memref<10000x128xf32, #tpu.memory_space<hbm>> -> memref<160x128xf32, #tpu.memory_space<hbm>>
      %dma_start3A_125 = arith.constant 0 : i32
      %dma_start3A_126 = arith.constant 0 : i32
      %dma_start3A_127 = tpu.memref_slice %arg13[%dma_start3A_125, %dma_start3A_126] : memref<360x128xf32, #tpu.memory_space<vmem>> -> memref<160x128xf32, #tpu.memory_space<vmem>>
      tpu.enqueue_dma source(%dma_start3A_127 : memref<160x128xf32, #tpu.memory_space<vmem>>) target(%dma_start3A_124 : memref<160x128xf32, #tpu.memory_space<hbm>>) target_semaphore(%arg17 : memref<!tpu.dma_semaphore, #tpu.memory_space<semaphore_mem>>)
      %dma_wait3A_128 = arith.constant 0 : i32
      %dma_wait3A_129 = arith.constant 0 : i32
      %dma_wait3A_130 = tpu.memref_slice %arg12[%dma_wait3A_128, %dma_wait3A_129] : memref<360x128xf32, #tpu.memory_space<vmem>> -> memref<160x128xf32, #tpu.memory_space<vmem>>
      %dma_wait3A_131 = arith.constant 0 : i32
      %dma_wait3A_132 = tpu.memref_slice %arg6[%mul3A_73, %dma_wait3A_131] : memref<10000x128xf32, #tpu.memory_space<hbm>> -> memref<160x128xf32, #tpu.memory_space<hbm>>
      %dma_wait3A_133 = arith.constant 0 : i32
      %dma_wait3A_134 = tpu.memref_slice %arg6[%mul3A_73, %dma_wait3A_133] : memref<10000x128xf32, #tpu.memory_space<hbm>> -> memref<160x128xf32, #tpu.memory_space<hbm>>
      %dma_wait3A_135 = arith.constant 0 : i32
      %dma_wait3A_136 = arith.constant 0 : i32
      %dma_wait3A_137 = tpu.memref_slice %arg12[%dma_wait3A_135, %dma_wait3A_136] : memref<360x128xf32, #tpu.memory_space<vmem>> -> memref<160x128xf32, #tpu.memory_space<vmem>>
      tpu.wait_dma2 semaphore(%arg16 : memref<!tpu.dma_semaphore, #tpu.memory_space<semaphore_mem>>) src(%dma_wait3A_137 : memref<160x128xf32, #tpu.memory_space<vmem>>) dst(%dma_wait3A_134 : memref<160x128xf32, #tpu.memory_space<hbm>>)
      %add3A_138 = arith.constant 160 : i32
      %add3A_139 = arith.addi %mul3A_73, %add3A_138 : i32
      %dma_wait3A_140 = arith.constant 0 : i32
      %dma_wait3A_141 = arith.constant 0 : i32
      %dma_wait3A_142 = tpu.memref_slice %arg13[%dma_wait3A_140, %dma_wait3A_141] : memref<360x128xf32, #tpu.memory_space<vmem>> -> memref<160x128xf32, #tpu.memory_space<vmem>>
      %dma_wait3A_143 = arith.constant 0 : i32
      %dma_wait3A_144 = tpu.memref_slice %arg6[%add3A_139, %dma_wait3A_143] : memref<10000x128xf32, #tpu.memory_space<hbm>> -> memref<160x128xf32, #tpu.memory_space<hbm>>
      %dma_wait3A_145 = arith.constant 0 : i32
      %dma_wait3A_146 = tpu.memref_slice %arg6[%add3A_139, %dma_wait3A_145] : memref<10000x128xf32, #tpu.memory_space<hbm>> -> memref<160x128xf32, #tpu.memory_space<hbm>>
      %dma_wait3A_147 = arith.constant 0 : i32
      %dma_wait3A_148 = arith.constant 0 : i32
      %dma_wait3A_149 = tpu.memref_slice %arg13[%dma_wait3A_147, %dma_wait3A_148] : memref<360x128xf32, #tpu.memory_space<vmem>> -> memref<160x128xf32, #tpu.memory_space<vmem>>
      tpu.wait_dma2 semaphore(%arg17 : memref<!tpu.dma_semaphore, #tpu.memory_space<semaphore_mem>>) src(%dma_wait3A_149 : memref<160x128xf32, #tpu.memory_space<vmem>>) dst(%dma_wait3A_146 : memref<160x128xf32, #tpu.memory_space<hbm>>)
    } else {
    }
    %eq3A_9 = arith.constant 31 : i32
    %eq3A_10 = arith.cmpi eq, %add3A, %eq3A_9 : i32
    %convert_element_type3A_11 = arith.extui %eq3A_10 : i1 to i32
    %cond3A_12 = arith.constant 0 : i32
    %cond3A_13 = arith.cmpi ne, %convert_element_type3A_11, %cond3A_12 : i32
    scf.if %cond3A_13 {
      "tpu.region"() ({
        %run_scoped3A = tpu.sem_alloc : memref<!tpu.dma_semaphore, #tpu.memory_space<semaphore_mem>>
        %dma_start3A_112 = arith.constant 0 : i32
        %dma_start3A_113 = tpu.memref_slice %arg8[%dma_start3A_112] : memref<320xi32, #tpu.memory_space<vmem>> -> memref<80xi32, #tpu.memory_space<vmem>>
        %dma_start3A_114 = arith.constant 9920 : i32
        %dma_start3A_115 = tpu.memref_slice %arg2[%dma_start3A_114] : memref<10000xi32, #tpu.memory_space<hbm>> -> memref<80xi32, #tpu.memory_space<hbm>>
        %dma_start3A_116 = arith.constant 0 : i32
        %dma_start3A_117 = tpu.memref_slice %arg8[%dma_start3A_116] : memref<320xi32, #tpu.memory_space<vmem>> -> memref<80xi32, #tpu.memory_space<vmem>>
        %dma_start3A_118 = arith.constant 9920 : i32
        %dma_start3A_119 = tpu.memref_slice %arg2[%dma_start3A_118] : memref<10000xi32, #tpu.memory_space<hbm>> -> memref<80xi32, #tpu.memory_space<hbm>>
        tpu.enqueue_dma source(%dma_start3A_119 : memref<80xi32, #tpu.memory_space<hbm>>) target(%dma_start3A_117 : memref<80xi32, #tpu.memory_space<vmem>>) target_semaphore(%run_scoped3A : memref<!tpu.dma_semaphore, #tpu.memory_space<semaphore_mem>>)
        %dma_wait3A_120 = arith.constant 0 : i32
        %dma_wait3A_121 = tpu.memref_slice %arg8[%dma_wait3A_120] : memref<320xi32, #tpu.memory_space<vmem>> -> memref<80xi32, #tpu.memory_space<vmem>>
        %dma_wait3A_122 = arith.constant 9920 : i32
        %dma_wait3A_123 = tpu.memref_slice %arg2[%dma_wait3A_122] : memref<10000xi32, #tpu.memory_space<hbm>> -> memref<80xi32, #tpu.memory_space<hbm>>
        %dma_wait3A_124 = arith.constant 0 : i32
        %dma_wait3A_125 = tpu.memref_slice %arg8[%dma_wait3A_124] : memref<320xi32, #tpu.memory_space<vmem>> -> memref<80xi32, #tpu.memory_space<vmem>>
        %dma_wait3A_126 = arith.constant 9920 : i32
        %dma_wait3A_127 = tpu.memref_slice %arg2[%dma_wait3A_126] : memref<10000xi32, #tpu.memory_space<hbm>> -> memref<80xi32, #tpu.memory_space<hbm>>
        tpu.wait_dma2 semaphore(%run_scoped3A : memref<!tpu.dma_semaphore, #tpu.memory_space<semaphore_mem>>) src(%dma_wait3A_127 : memref<80xi32, #tpu.memory_space<hbm>>) dst(%dma_wait3A_125 : memref<80xi32, #tpu.memory_space<vmem>>)
        tpu.yield
      }) : () -> ()
      %dma_start3A_72 = arith.constant 0 : i32
      %dma_start3A_73 = arith.constant 0 : i32
      %dma_start3A_74 = tpu.memref_slice %arg12[%dma_start3A_72, %dma_start3A_73] : memref<360x128xf32, #tpu.memory_space<vmem>> -> memref<80x128xf32, #tpu.memory_space<vmem>>
      %dma_start3A_75 = arith.constant 0 : i32
      %dma_start3A_76 = tpu.memref_slice %arg8[%dma_start3A_75] : memref<320xi32, #tpu.memory_space<vmem>> -> memref<80xi32, #tpu.memory_space<vmem>>
      %dma_start3A_77 = arith.constant 0 : i32
      %dma_start3A_78 = arith.constant 0 : i32
      %dma_start3A_79 = tpu.memref_slice %arg4[%dma_start3A_77, %dma_start3A_78] : memref<10000x128xf32, #tpu.memory_space<hbm>> -> memref<10000x128xf32, #tpu.memory_space<hbm>>
      tpu.enqueue_indirect_dma source(%dma_start3A_79 : memref<10000x128xf32, #tpu.memory_space<hbm>>) target(%dma_start3A_74 : memref<80x128xf32, #tpu.memory_space<vmem>>) offsets(%dma_start3A_76 : memref<80xi32, #tpu.memory_space<vmem>>) semaphore(%arg16 : memref<!tpu.dma_semaphore, #tpu.memory_space<semaphore_mem>>)
      %dma_wait3A_80 = arith.constant 0 : i32
      %dma_wait3A_81 = arith.constant 0 : i32
      %dma_wait3A_82 = tpu.memref_slice %arg12[%dma_wait3A_80, %dma_wait3A_81] : memref<360x128xf32, #tpu.memory_space<vmem>> -> memref<80x128xf32, #tpu.memory_space<vmem>>
      %dma_wait3A_83 = arith.constant 0 : i32
      %dma_wait3A_84 = tpu.memref_slice %arg8[%dma_wait3A_83] : memref<320xi32, #tpu.memory_space<vmem>> -> memref<80xi32, #tpu.memory_space<vmem>>
      %dma_wait3A_85 = arith.constant 0 : i32
      %dma_wait3A_86 = arith.constant 0 : i32
      %dma_wait3A_87 = tpu.memref_slice %arg4[%dma_wait3A_85, %dma_wait3A_86] : memref<10000x128xf32, #tpu.memory_space<hbm>> -> memref<10000x128xf32, #tpu.memory_space<hbm>>
      tpu.wait_indirect_dma semaphore(%arg16 : memref<!tpu.dma_semaphore, #tpu.memory_space<semaphore_mem>>) src(%dma_wait3A_87 : memref<10000x128xf32, #tpu.memory_space<hbm>>) dst(%dma_wait3A_82 : memref<80x128xf32, #tpu.memory_space<vmem>>)
      %dma_start3A_88 = arith.constant 0 : i32
      %dma_start3A_89 = arith.constant 0 : i32
      %dma_start3A_90 = tpu.memref_slice %arg12[%dma_start3A_88, %dma_start3A_89] : memref<360x128xf32, #tpu.memory_space<vmem>> -> memref<80x128xf32, #tpu.memory_space<vmem>>
      %dma_start3A_91 = arith.constant 9920 : i32
      %dma_start3A_92 = arith.constant 0 : i32
      %dma_start3A_93 = tpu.memref_slice %arg6[%dma_start3A_91, %dma_start3A_92] : memref<10000x128xf32, #tpu.memory_space<hbm>> -> memref<80x128xf32, #tpu.memory_space<hbm>>
      %dma_start3A_94 = arith.constant 9920 : i32
      %dma_start3A_95 = arith.constant 0 : i32
      %dma_start3A_96 = tpu.memref_slice %arg6[%dma_start3A_94, %dma_start3A_95] : memref<10000x128xf32, #tpu.memory_space<hbm>> -> memref<80x128xf32, #tpu.memory_space<hbm>>
      %dma_start3A_97 = arith.constant 0 : i32
      %dma_start3A_98 = arith.constant 0 : i32
      %dma_start3A_99 = tpu.memref_slice %arg12[%dma_start3A_97, %dma_start3A_98] : memref<360x128xf32, #tpu.memory_space<vmem>> -> memref<80x128xf32, #tpu.memory_space<vmem>>
      tpu.enqueue_dma source(%dma_start3A_99 : memref<80x128xf32, #tpu.memory_space<vmem>>) target(%dma_start3A_96 : memref<80x128xf32, #tpu.memory_space<hbm>>) target_semaphore(%arg16 : memref<!tpu.dma_semaphore, #tpu.memory_space<semaphore_mem>>)
      %dma_wait3A_100 = arith.constant 0 : i32
      %dma_wait3A_101 = arith.constant 0 : i32
      %dma_wait3A_102 = tpu.memref_slice %arg12[%dma_wait3A_100, %dma_wait3A_101] : memref<360x128xf32, #tpu.memory_space<vmem>> -> memref<80x128xf32, #tpu.memory_space<vmem>>
      %dma_wait3A_103 = arith.constant 9920 : i32
      %dma_wait3A_104 = arith.constant 0 : i32
      %dma_wait3A_105 = tpu.memref_slice %arg6[%dma_wait3A_103, %dma_wait3A_104] : memref<10000x128xf32, #tpu.memory_space<hbm>> -> memref<80x128xf32, #tpu.memory_space<hbm>>
      %dma_wait3A_106 = arith.constant 9920 : i32
      %dma_wait3A_107 = arith.constant 0 : i32
      %dma_wait3A_108 = tpu.memref_slice %arg6[%dma_wait3A_106, %dma_wait3A_107] : memref<10000x128xf32, #tpu.memory_space<hbm>> -> memref<80x128xf32, #tpu.memory_space<hbm>>
      %dma_wait3A_109 = arith.constant 0 : i32
      %dma_wait3A_110 = arith.constant 0 : i32
      %dma_wait3A_111 = tpu.memref_slice %arg12[%dma_wait3A_109, %dma_wait3A_110] : memref<360x128xf32, #tpu.memory_space<vmem>> -> memref<80x128xf32, #tpu.memory_space<vmem>>
      tpu.wait_dma2 semaphore(%arg16 : memref<!tpu.dma_semaphore, #tpu.memory_space<semaphore_mem>>) src(%dma_wait3A_111 : memref<80x128xf32, #tpu.memory_space<vmem>>) dst(%dma_wait3A_108 : memref<80x128xf32, #tpu.memory_space<hbm>>)
    } else {
    }
    %multiple_of3A = arith.constant 0 : i32
    %multiple_of3A_14 = tpu.assume_multiple %multiple_of3A, 8 : i32
    %dma_start3A = tpu.memref_slice %arg9[%multiple_of3A_14] : memref<10016xi32, #tpu.memory_space<vmem>> -> memref<360xi32, #tpu.memory_space<vmem>>
    %dma_start3A_15 = arith.constant 0 : i32
    %dma_start3A_16 = arith.constant 0 : i32
    %dma_start3A_17 = tpu.memref_slice %arg11[%dma_start3A_15, %dma_start3A_16] : memref<16x128xf32, #tpu.memory_space<vmem_shared>> -> memref<16x128xf32, #tpu.memory_space<vmem_shared>>
    tpu.enqueue_indirect_dma source(%dma_start3A_17 : memref<16x128xf32, #tpu.memory_space<vmem_shared>>) target(%arg12 : memref<360x128xf32, #tpu.memory_space<vmem>>) offsets(%dma_start3A : memref<360xi32, #tpu.memory_space<vmem>>) semaphore(%arg16 : memref<!tpu.dma_semaphore, #tpu.memory_space<semaphore_mem>>)
    %scan3A = arith.constant 0 : i32
    %scan3A_18 = arith.constant 0 : i32
    %scan3A_19 = arith.constant 12 : i32
    %scan3A_20 = arith.addi %scan3A_18, %scan3A_19 : i32
    %scan3A_21 = arith.constant 1 : i32
    scf.for %scan3A_72 = %scan3A_18 to %scan3A_20 step %scan3A_21  : i32 {
      %mul3A_73 = arith.constant 2 : i32
      %mul3A_74 = arith.muli %mul3A_73, %scan3A_72 : i32
      %add3A_75 = arith.constant 1 : i32
      %add3A_76 = arith.addi %mul3A_74, %add3A_75 : i32
      %gt3A = arith.constant 0 : i32
      %gt3A_77 = arith.cmpi sgt, %scan3A_72, %gt3A : i32
      %convert_element_type3A_78 = arith.extui %gt3A_77 : i1 to i32
      %cond3A_79 = arith.constant 0 : i32
      %cond3A_80 = arith.cmpi ne, %convert_element_type3A_78, %cond3A_79 : i32
      scf.if %cond3A_80 {
        %dma_wait3A_180 = arith.constant 0 : i32
        %dma_wait3A_181 = tpu.memref_slice %arg7[%mul3A_2, %dma_wait3A_180] : memref<320000x128xf32, #tpu.memory_space<hbm>> -> memref<360x128xf32, #tpu.memory_space<hbm>>
        %dma_wait3A_182 = arith.constant 0 : i32
        %dma_wait3A_183 = tpu.memref_slice %arg7[%mul3A_2, %dma_wait3A_182] : memref<320000x128xf32, #tpu.memory_space<hbm>> -> memref<360x128xf32, #tpu.memory_space<hbm>>
        tpu.wait_dma2 semaphore(%arg19 : memref<!tpu.dma_semaphore, #tpu.memory_space<semaphore_mem>>) src(%arg13 : memref<360x128xf32, #tpu.memory_space<vmem>>) dst(%dma_wait3A_183 : memref<360x128xf32, #tpu.memory_space<hbm>>)
        %dma_wait3A_184 = arith.constant 0 : i32
        %dma_wait3A_185 = tpu.memref_slice %arg7[%mul3A_2, %dma_wait3A_184] : memref<320000x128xf32, #tpu.memory_space<hbm>> -> memref<40x128xf32, #tpu.memory_space<hbm>>
        %dma_wait3A_186 = arith.constant 0 : i32
        %dma_wait3A_187 = tpu.memref_slice %arg7[%mul3A_2, %dma_wait3A_186] : memref<320000x128xf32, #tpu.memory_space<hbm>> -> memref<40x128xf32, #tpu.memory_space<hbm>>
        tpu.wait_dma2 semaphore(%arg20 : memref<!tpu.dma_semaphore, #tpu.memory_space<semaphore_mem>>) src(%arg14 : memref<40x128xf32, #tpu.memory_space<vmem>>) dst(%dma_wait3A_187 : memref<40x128xf32, #tpu.memory_space<hbm>>)
      } else {
      }
      %mul3A_81 = arith.constant 400 : i32
      %mul3A_82 = arith.muli %add3A_76, %mul3A_81 : i32
      %multiple_of3A_83 = tpu.assume_multiple %mul3A_82, 8 : i32
      %dma_start3A_84 = tpu.memref_slice %arg9[%multiple_of3A_83] : memref<10016xi32, #tpu.memory_space<vmem>> -> memref<360xi32, #tpu.memory_space<vmem>>
      %dma_start3A_85 = arith.constant 0 : i32
      %dma_start3A_86 = arith.constant 0 : i32
      %dma_start3A_87 = tpu.memref_slice %arg11[%dma_start3A_85, %dma_start3A_86] : memref<16x128xf32, #tpu.memory_space<vmem_shared>> -> memref<16x128xf32, #tpu.memory_space<vmem_shared>>
      tpu.enqueue_indirect_dma source(%dma_start3A_87 : memref<16x128xf32, #tpu.memory_space<vmem_shared>>) target(%arg13 : memref<360x128xf32, #tpu.memory_space<vmem>>) offsets(%dma_start3A_84 : memref<360xi32, #tpu.memory_space<vmem>>) semaphore(%arg17 : memref<!tpu.dma_semaphore, #tpu.memory_space<semaphore_mem>>)
      %mul3A_88 = arith.constant 400 : i32
      %mul3A_89 = arith.muli %mul3A_74, %mul3A_88 : i32
      %add3A_90 = arith.constant 360 : i32
      %add3A_91 = arith.addi %mul3A_89, %add3A_90 : i32
      %multiple_of3A_92 = tpu.assume_multiple %add3A_91, 8 : i32
      %dma_start3A_93 = tpu.memref_slice %arg9[%multiple_of3A_92] : memref<10016xi32, #tpu.memory_space<vmem>> -> memref<40xi32, #tpu.memory_space<vmem>>
      %dma_start3A_94 = arith.constant 0 : i32
      %dma_start3A_95 = arith.constant 0 : i32
      %dma_start3A_96 = tpu.memref_slice %arg11[%dma_start3A_94, %dma_start3A_95] : memref<16x128xf32, #tpu.memory_space<vmem_shared>> -> memref<16x128xf32, #tpu.memory_space<vmem_shared>>
      tpu.enqueue_indirect_dma source(%dma_start3A_96 : memref<16x128xf32, #tpu.memory_space<vmem_shared>>) target(%arg14 : memref<40x128xf32, #tpu.memory_space<vmem>>) offsets(%dma_start3A_93 : memref<40xi32, #tpu.memory_space<vmem>>) semaphore(%arg22 : memref<!tpu.dma_semaphore, #tpu.memory_space<semaphore_mem>>)
      %dma_wait3A_97 = arith.constant 0 : i32
      %dma_wait3A_98 = tpu.memref_slice %arg9[%dma_wait3A_97] : memref<10016xi32, #tpu.memory_space<vmem>> -> memref<360xi32, #tpu.memory_space<vmem>>
      %dma_wait3A_99 = arith.constant 0 : i32
      %dma_wait3A_100 = arith.constant 0 : i32
      %dma_wait3A_101 = tpu.memref_slice %arg11[%dma_wait3A_99, %dma_wait3A_100] : memref<16x128xf32, #tpu.memory_space<vmem_shared>> -> memref<16x128xf32, #tpu.memory_space<vmem_shared>>
      tpu.wait_indirect_dma semaphore(%arg16 : memref<!tpu.dma_semaphore, #tpu.memory_space<semaphore_mem>>) src(%dma_wait3A_101 : memref<16x128xf32, #tpu.memory_space<vmem_shared>>) dst(%arg12 : memref<360x128xf32, #tpu.memory_space<vmem>>)
      %mul3A_102 = arith.constant 400 : i32
      %mul3A_103 = arith.muli %mul3A_74, %mul3A_102 : i32
      %multiple_of3A_104 = tpu.assume_multiple %mul3A_103, 8 : i32
      %add3A_105 = arith.addi %mul3A_2, %multiple_of3A_104 : i32
      %dma_start3A_106 = arith.constant 0 : i32
      %dma_start3A_107 = tpu.memref_slice %arg7[%add3A_105, %dma_start3A_106] : memref<320000x128xf32, #tpu.memory_space<hbm>> -> memref<360x128xf32, #tpu.memory_space<hbm>>
      %dma_start3A_108 = arith.constant 0 : i32
      %dma_start3A_109 = tpu.memref_slice %arg7[%add3A_105, %dma_start3A_108] : memref<320000x128xf32, #tpu.memory_space<hbm>> -> memref<360x128xf32, #tpu.memory_space<hbm>>
      tpu.enqueue_dma source(%arg12 : memref<360x128xf32, #tpu.memory_space<vmem>>) target(%dma_start3A_109 : memref<360x128xf32, #tpu.memory_space<hbm>>) target_semaphore(%arg18 : memref<!tpu.dma_semaphore, #tpu.memory_space<semaphore_mem>>)
      %dma_wait3A_110 = arith.constant 0 : i32
      %dma_wait3A_111 = tpu.memref_slice %arg9[%dma_wait3A_110] : memref<10016xi32, #tpu.memory_space<vmem>> -> memref<40xi32, #tpu.memory_space<vmem>>
      %dma_wait3A_112 = arith.constant 0 : i32
      %dma_wait3A_113 = arith.constant 0 : i32
      %dma_wait3A_114 = tpu.memref_slice %arg11[%dma_wait3A_112, %dma_wait3A_113] : memref<16x128xf32, #tpu.memory_space<vmem_shared>> -> memref<16x128xf32, #tpu.memory_space<vmem_shared>>
      tpu.wait_indirect_dma semaphore(%arg22 : memref<!tpu.dma_semaphore, #tpu.memory_space<semaphore_mem>>) src(%dma_wait3A_114 : memref<16x128xf32, #tpu.memory_space<vmem_shared>>) dst(%arg14 : memref<40x128xf32, #tpu.memory_space<vmem>>)
      %mul3A_115 = arith.constant 400 : i32
      %mul3A_116 = arith.muli %mul3A_74, %mul3A_115 : i32
      %add3A_117 = arith.constant 360 : i32
      %add3A_118 = arith.addi %mul3A_116, %add3A_117 : i32
      %multiple_of3A_119 = tpu.assume_multiple %add3A_118, 8 : i32
      %add3A_120 = arith.addi %mul3A_2, %multiple_of3A_119 : i32
      %dma_start3A_121 = arith.constant 0 : i32
      %dma_start3A_122 = tpu.memref_slice %arg7[%add3A_120, %dma_start3A_121] : memref<320000x128xf32, #tpu.memory_space<hbm>> -> memref<40x128xf32, #tpu.memory_space<hbm>>
      %dma_start3A_123 = arith.constant 0 : i32
      %dma_start3A_124 = tpu.memref_slice %arg7[%add3A_120, %dma_start3A_123] : memref<320000x128xf32, #tpu.memory_space<hbm>> -> memref<40x128xf32, #tpu.memory_space<hbm>>
      tpu.enqueue_dma source(%arg14 : memref<40x128xf32, #tpu.memory_space<vmem>>) target(%dma_start3A_124 : memref<40x128xf32, #tpu.memory_space<hbm>>) target_semaphore(%arg20 : memref<!tpu.dma_semaphore, #tpu.memory_space<semaphore_mem>>)
      %gt3A_125 = arith.constant 0 : i32
      %gt3A_126 = arith.cmpi sgt, %scan3A_72, %gt3A_125 : i32
      %convert_element_type3A_127 = arith.extui %gt3A_126 : i1 to i32
      %cond3A_128 = arith.constant 0 : i32
      %cond3A_129 = arith.cmpi ne, %convert_element_type3A_127, %cond3A_128 : i32
      scf.if %cond3A_129 {
        %dma_wait3A_180 = arith.constant 0 : i32
        %dma_wait3A_181 = tpu.memref_slice %arg7[%mul3A_2, %dma_wait3A_180] : memref<320000x128xf32, #tpu.memory_space<hbm>> -> memref<40x128xf32, #tpu.memory_space<hbm>>
        %dma_wait3A_182 = arith.constant 0 : i32
        %dma_wait3A_183 = tpu.memref_slice %arg7[%mul3A_2, %dma_wait3A_182] : memref<320000x128xf32, #tpu.memory_space<hbm>> -> memref<40x128xf32, #tpu.memory_space<hbm>>
        tpu.wait_dma2 semaphore(%arg21 : memref<!tpu.dma_semaphore, #tpu.memory_space<semaphore_mem>>) src(%arg15 : memref<40x128xf32, #tpu.memory_space<vmem>>) dst(%dma_wait3A_183 : memref<40x128xf32, #tpu.memory_space<hbm>>)
      } else {
      }
      %mul3A_130 = arith.constant 400 : i32
      %mul3A_131 = arith.muli %add3A_76, %mul3A_130 : i32
      %add3A_132 = arith.constant 360 : i32
      %add3A_133 = arith.addi %mul3A_131, %add3A_132 : i32
      %multiple_of3A_134 = tpu.assume_multiple %add3A_133, 8 : i32
      %dma_start3A_135 = tpu.memref_slice %arg9[%multiple_of3A_134] : memref<10016xi32, #tpu.memory_space<vmem>> -> memref<40xi32, #tpu.memory_space<vmem>>
      %dma_start3A_136 = arith.constant 0 : i32
      %dma_start3A_137 = arith.constant 0 : i32
      %dma_start3A_138 = tpu.memref_slice %arg11[%dma_start3A_136, %dma_start3A_137] : memref<16x128xf32, #tpu.memory_space<vmem_shared>> -> memref<16x128xf32, #tpu.memory_space<vmem_shared>>
      tpu.enqueue_indirect_dma source(%dma_start3A_138 : memref<16x128xf32, #tpu.memory_space<vmem_shared>>) target(%arg15 : memref<40x128xf32, #tpu.memory_space<vmem>>) offsets(%dma_start3A_135 : memref<40xi32, #tpu.memory_space<vmem>>) semaphore(%arg23 : memref<!tpu.dma_semaphore, #tpu.memory_space<semaphore_mem>>)
      %dma_wait3A_139 = arith.constant 0 : i32
      %dma_wait3A_140 = tpu.memref_slice %arg9[%dma_wait3A_139] : memref<10016xi32, #tpu.memory_space<vmem>> -> memref<360xi32, #tpu.memory_space<vmem>>
      %dma_wait3A_141 = arith.constant 0 : i32
      %dma_wait3A_142 = arith.constant 0 : i32
      %dma_wait3A_143 = tpu.memref_slice %arg11[%dma_wait3A_141, %dma_wait3A_142] : memref<16x128xf32, #tpu.memory_space<vmem_shared>> -> memref<16x128xf32, #tpu.memory_space<vmem_shared>>
      tpu.wait_indirect_dma semaphore(%arg17 : memref<!tpu.dma_semaphore, #tpu.memory_space<semaphore_mem>>) src(%dma_wait3A_143 : memref<16x128xf32, #tpu.memory_space<vmem_shared>>) dst(%arg13 : memref<360x128xf32, #tpu.memory_space<vmem>>)
      %mul3A_144 = arith.constant 400 : i32
      %mul3A_145 = arith.muli %add3A_76, %mul3A_144 : i32
      %multiple_of3A_146 = tpu.assume_multiple %mul3A_145, 8 : i32
      %add3A_147 = arith.addi %mul3A_2, %multiple_of3A_146 : i32
      %dma_start3A_148 = arith.constant 0 : i32
      %dma_start3A_149 = tpu.memref_slice %arg7[%add3A_147, %dma_start3A_148] : memref<320000x128xf32, #tpu.memory_space<hbm>> -> memref<360x128xf32, #tpu.memory_space<hbm>>
      %dma_start3A_150 = arith.constant 0 : i32
      %dma_start3A_151 = tpu.memref_slice %arg7[%add3A_147, %dma_start3A_150] : memref<320000x128xf32, #tpu.memory_space<hbm>> -> memref<360x128xf32, #tpu.memory_space<hbm>>
      tpu.enqueue_dma source(%arg13 : memref<360x128xf32, #tpu.memory_space<vmem>>) target(%dma_start3A_151 : memref<360x128xf32, #tpu.memory_space<hbm>>) target_semaphore(%arg19 : memref<!tpu.dma_semaphore, #tpu.memory_space<semaphore_mem>>)
      %dma_wait3A_152 = arith.constant 0 : i32
      %dma_wait3A_153 = tpu.memref_slice %arg9[%dma_wait3A_152] : memref<10016xi32, #tpu.memory_space<vmem>> -> memref<40xi32, #tpu.memory_space<vmem>>
      %dma_wait3A_154 = arith.constant 0 : i32
      %dma_wait3A_155 = arith.constant 0 : i32
      %dma_wait3A_156 = tpu.memref_slice %arg11[%dma_wait3A_154, %dma_wait3A_155] : memref<16x128xf32, #tpu.memory_space<vmem_shared>> -> memref<16x128xf32, #tpu.memory_space<vmem_shared>>
      tpu.wait_indirect_dma semaphore(%arg23 : memref<!tpu.dma_semaphore, #tpu.memory_space<semaphore_mem>>) src(%dma_wait3A_156 : memref<16x128xf32, #tpu.memory_space<vmem_shared>>) dst(%arg15 : memref<40x128xf32, #tpu.memory_space<vmem>>)
      %mul3A_157 = arith.constant 400 : i32
      %mul3A_158 = arith.muli %add3A_76, %mul3A_157 : i32
      %add3A_159 = arith.constant 360 : i32
      %add3A_160 = arith.addi %mul3A_158, %add3A_159 : i32
      %multiple_of3A_161 = tpu.assume_multiple %add3A_160, 8 : i32
      %add3A_162 = arith.addi %mul3A_2, %multiple_of3A_161 : i32
      %dma_start3A_163 = arith.constant 0 : i32
      %dma_start3A_164 = tpu.memref_slice %arg7[%add3A_162, %dma_start3A_163] : memref<320000x128xf32, #tpu.memory_space<hbm>> -> memref<40x128xf32, #tpu.memory_space<hbm>>
      %dma_start3A_165 = arith.constant 0 : i32
      %dma_start3A_166 = tpu.memref_slice %arg7[%add3A_162, %dma_start3A_165] : memref<320000x128xf32, #tpu.memory_space<hbm>> -> memref<40x128xf32, #tpu.memory_space<hbm>>
      tpu.enqueue_dma source(%arg15 : memref<40x128xf32, #tpu.memory_space<vmem>>) target(%dma_start3A_166 : memref<40x128xf32, #tpu.memory_space<hbm>>) target_semaphore(%arg21 : memref<!tpu.dma_semaphore, #tpu.memory_space<semaphore_mem>>)
      %dma_wait3A_167 = arith.constant 0 : i32
      %dma_wait3A_168 = tpu.memref_slice %arg7[%mul3A_2, %dma_wait3A_167] : memref<320000x128xf32, #tpu.memory_space<hbm>> -> memref<360x128xf32, #tpu.memory_space<hbm>>
      %dma_wait3A_169 = arith.constant 0 : i32
      %dma_wait3A_170 = tpu.memref_slice %arg7[%mul3A_2, %dma_wait3A_169] : memref<320000x128xf32, #tpu.memory_space<hbm>> -> memref<360x128xf32, #tpu.memory_space<hbm>>
      tpu.wait_dma2 semaphore(%arg18 : memref<!tpu.dma_semaphore, #tpu.memory_space<semaphore_mem>>) src(%arg12 : memref<360x128xf32, #tpu.memory_space<vmem>>) dst(%dma_wait3A_170 : memref<360x128xf32, #tpu.memory_space<hbm>>)
      %add3A_171 = arith.constant 2 : i32
      %add3A_172 = arith.addi %mul3A_74, %add3A_171 : i32
      %mul3A_173 = arith.constant 400 : i32
      %mul3A_174 = arith.muli %add3A_172, %mul3A_173 : i32
      %multiple_of3A_175 = tpu.assume_multiple %mul3A_174, 8 : i32
      %dma_start3A_176 = tpu.memref_slice %arg9[%multiple_of3A_175] : memref<10016xi32, #tpu.memory_space<vmem>> -> memref<360xi32, #tpu.memory_space<vmem>>
      %dma_start3A_177 = arith.constant 0 : i32
      %dma_start3A_178 = arith.constant 0 : i32
      %dma_start3A_179 = tpu.memref_slice %arg11[%dma_start3A_177, %dma_start3A_178] : memref<16x128xf32, #tpu.memory_space<vmem_shared>> -> memref<16x128xf32, #tpu.memory_space<vmem_shared>>
      tpu.enqueue_indirect_dma source(%dma_start3A_179 : memref<16x128xf32, #tpu.memory_space<vmem_shared>>) target(%arg12 : memref<360x128xf32, #tpu.memory_space<vmem>>) offsets(%dma_start3A_176 : memref<360xi32, #tpu.memory_space<vmem>>) semaphore(%arg16 : memref<!tpu.dma_semaphore, #tpu.memory_space<semaphore_mem>>)
    }
    %scan3A_22 = arith.constant 12 : i32
    %dma_wait3A = arith.constant 0 : i32
    %dma_wait3A_23 = tpu.memref_slice %arg7[%mul3A_2, %dma_wait3A] : memref<320000x128xf32, #tpu.memory_space<hbm>> -> memref<40x128xf32, #tpu.memory_space<hbm>>
    %dma_wait3A_24 = arith.constant 0 : i32
    %dma_wait3A_25 = tpu.memref_slice %arg7[%mul3A_2, %dma_wait3A_24] : memref<320000x128xf32, #tpu.memory_space<hbm>> -> memref<40x128xf32, #tpu.memory_space<hbm>>
    tpu.wait_dma2 semaphore(%arg20 : memref<!tpu.dma_semaphore, #tpu.memory_space<semaphore_mem>>) src(%arg14 : memref<40x128xf32, #tpu.memory_space<vmem>>) dst(%dma_wait3A_25 : memref<40x128xf32, #tpu.memory_space<hbm>>)
    %multiple_of3A_26 = arith.constant 9960 : i32
    %multiple_of3A_27 = tpu.assume_multiple %multiple_of3A_26, 8 : i32
    %dma_start3A_28 = tpu.memref_slice %arg9[%multiple_of3A_27] : memref<10016xi32, #tpu.memory_space<vmem>> -> memref<40xi32, #tpu.memory_space<vmem>>
    %dma_start3A_29 = arith.constant 0 : i32
    %dma_start3A_30 = arith.constant 0 : i32
    %dma_start3A_31 = tpu.memref_slice %arg11[%dma_start3A_29, %dma_start3A_30] : memref<16x128xf32, #tpu.memory_space<vmem_shared>> -> memref<16x128xf32, #tpu.memory_space<vmem_shared>>
    tpu.enqueue_indirect_dma source(%dma_start3A_31 : memref<16x128xf32, #tpu.memory_space<vmem_shared>>) target(%arg14 : memref<40x128xf32, #tpu.memory_space<vmem>>) offsets(%dma_start3A_28 : memref<40xi32, #tpu.memory_space<vmem>>) semaphore(%arg22 : memref<!tpu.dma_semaphore, #tpu.memory_space<semaphore_mem>>)
    %dma_wait3A_32 = arith.constant 0 : i32
    %dma_wait3A_33 = tpu.memref_slice %arg9[%dma_wait3A_32] : memref<10016xi32, #tpu.memory_space<vmem>> -> memref<360xi32, #tpu.memory_space<vmem>>
    %dma_wait3A_34 = arith.constant 0 : i32
    %dma_wait3A_35 = arith.constant 0 : i32
    %dma_wait3A_36 = tpu.memref_slice %arg11[%dma_wait3A_34, %dma_wait3A_35] : memref<16x128xf32, #tpu.memory_space<vmem_shared>> -> memref<16x128xf32, #tpu.memory_space<vmem_shared>>
    tpu.wait_indirect_dma semaphore(%arg16 : memref<!tpu.dma_semaphore, #tpu.memory_space<semaphore_mem>>) src(%dma_wait3A_36 : memref<16x128xf32, #tpu.memory_space<vmem_shared>>) dst(%arg12 : memref<360x128xf32, #tpu.memory_space<vmem>>)
    %multiple_of3A_37 = arith.constant 9600 : i32
    %multiple_of3A_38 = tpu.assume_multiple %multiple_of3A_37, 8 : i32
    %add3A_39 = arith.addi %mul3A_2, %multiple_of3A_38 : i32
    %dma_start3A_40 = arith.constant 0 : i32
    %dma_start3A_41 = tpu.memref_slice %arg7[%add3A_39, %dma_start3A_40] : memref<320000x128xf32, #tpu.memory_space<hbm>> -> memref<360x128xf32, #tpu.memory_space<hbm>>
    %dma_start3A_42 = arith.constant 0 : i32
    %dma_start3A_43 = tpu.memref_slice %arg7[%add3A_39, %dma_start3A_42] : memref<320000x128xf32, #tpu.memory_space<hbm>> -> memref<360x128xf32, #tpu.memory_space<hbm>>
    tpu.enqueue_dma source(%arg12 : memref<360x128xf32, #tpu.memory_space<vmem>>) target(%dma_start3A_43 : memref<360x128xf32, #tpu.memory_space<hbm>>) target_semaphore(%arg18 : memref<!tpu.dma_semaphore, #tpu.memory_space<semaphore_mem>>)
    %dma_wait3A_44 = arith.constant 0 : i32
    %dma_wait3A_45 = tpu.memref_slice %arg9[%dma_wait3A_44] : memref<10016xi32, #tpu.memory_space<vmem>> -> memref<40xi32, #tpu.memory_space<vmem>>
    %dma_wait3A_46 = arith.constant 0 : i32
    %dma_wait3A_47 = arith.constant 0 : i32
    %dma_wait3A_48 = tpu.memref_slice %arg11[%dma_wait3A_46, %dma_wait3A_47] : memref<16x128xf32, #tpu.memory_space<vmem_shared>> -> memref<16x128xf32, #tpu.memory_space<vmem_shared>>
    tpu.wait_indirect_dma semaphore(%arg22 : memref<!tpu.dma_semaphore, #tpu.memory_space<semaphore_mem>>) src(%dma_wait3A_48 : memref<16x128xf32, #tpu.memory_space<vmem_shared>>) dst(%arg14 : memref<40x128xf32, #tpu.memory_space<vmem>>)
    %multiple_of3A_49 = arith.constant 9960 : i32
    %multiple_of3A_50 = tpu.assume_multiple %multiple_of3A_49, 8 : i32
    %add3A_51 = arith.addi %mul3A_2, %multiple_of3A_50 : i32
    %dma_start3A_52 = arith.constant 0 : i32
    %dma_start3A_53 = tpu.memref_slice %arg7[%add3A_51, %dma_start3A_52] : memref<320000x128xf32, #tpu.memory_space<hbm>> -> memref<40x128xf32, #tpu.memory_space<hbm>>
    %dma_start3A_54 = arith.constant 0 : i32
    %dma_start3A_55 = tpu.memref_slice %arg7[%add3A_51, %dma_start3A_54] : memref<320000x128xf32, #tpu.memory_space<hbm>> -> memref<40x128xf32, #tpu.memory_space<hbm>>
    tpu.enqueue_dma source(%arg14 : memref<40x128xf32, #tpu.memory_space<vmem>>) target(%dma_start3A_55 : memref<40x128xf32, #tpu.memory_space<hbm>>) target_semaphore(%arg20 : memref<!tpu.dma_semaphore, #tpu.memory_space<semaphore_mem>>)
    %dma_wait3A_56 = arith.constant 0 : i32
    %dma_wait3A_57 = tpu.memref_slice %arg7[%mul3A_2, %dma_wait3A_56] : memref<320000x128xf32, #tpu.memory_space<hbm>> -> memref<360x128xf32, #tpu.memory_space<hbm>>
    %dma_wait3A_58 = arith.constant 0 : i32
    %dma_wait3A_59 = tpu.memref_slice %arg7[%mul3A_2, %dma_wait3A_58] : memref<320000x128xf32, #tpu.memory_space<hbm>> -> memref<360x128xf32, #tpu.memory_space<hbm>>
    tpu.wait_dma2 semaphore(%arg19 : memref<!tpu.dma_semaphore, #tpu.memory_space<semaphore_mem>>) src(%arg13 : memref<360x128xf32, #tpu.memory_space<vmem>>) dst(%dma_wait3A_59 : memref<360x128xf32, #tpu.memory_space<hbm>>)
    %dma_wait3A_60 = arith.constant 0 : i32
    %dma_wait3A_61 = tpu.memref_slice %arg7[%mul3A_2, %dma_wait3A_60] : memref<320000x128xf32, #tpu.memory_space<hbm>> -> memref<40x128xf32, #tpu.memory_space<hbm>>
    %dma_wait3A_62 = arith.constant 0 : i32
    %dma_wait3A_63 = tpu.memref_slice %arg7[%mul3A_2, %dma_wait3A_62] : memref<320000x128xf32, #tpu.memory_space<hbm>> -> memref<40x128xf32, #tpu.memory_space<hbm>>
    tpu.wait_dma2 semaphore(%arg21 : memref<!tpu.dma_semaphore, #tpu.memory_space<semaphore_mem>>) src(%arg15 : memref<40x128xf32, #tpu.memory_space<vmem>>) dst(%dma_wait3A_63 : memref<40x128xf32, #tpu.memory_space<hbm>>)
    %dma_wait3A_64 = arith.constant 0 : i32
    %dma_wait3A_65 = tpu.memref_slice %arg7[%mul3A_2, %dma_wait3A_64] : memref<320000x128xf32, #tpu.memory_space<hbm>> -> memref<360x128xf32, #tpu.memory_space<hbm>>
    %dma_wait3A_66 = arith.constant 0 : i32
    %dma_wait3A_67 = tpu.memref_slice %arg7[%mul3A_2, %dma_wait3A_66] : memref<320000x128xf32, #tpu.memory_space<hbm>> -> memref<360x128xf32, #tpu.memory_space<hbm>>
    tpu.wait_dma2 semaphore(%arg18 : memref<!tpu.dma_semaphore, #tpu.memory_space<semaphore_mem>>) src(%arg12 : memref<360x128xf32, #tpu.memory_space<vmem>>) dst(%dma_wait3A_67 : memref<360x128xf32, #tpu.memory_space<hbm>>)
    %dma_wait3A_68 = arith.constant 0 : i32
    %dma_wait3A_69 = tpu.memref_slice %arg7[%mul3A_2, %dma_wait3A_68] : memref<320000x128xf32, #tpu.memory_space<hbm>> -> memref<40x128xf32, #tpu.memory_space<hbm>>
    %dma_wait3A_70 = arith.constant 0 : i32
    %dma_wait3A_71 = tpu.memref_slice %arg7[%mul3A_2, %dma_wait3A_70] : memref<320000x128xf32, #tpu.memory_space<hbm>> -> memref<40x128xf32, #tpu.memory_space<hbm>>
    tpu.wait_dma2 semaphore(%arg20 : memref<!tpu.dma_semaphore, #tpu.memory_space<semaphore_mem>>) src(%arg14 : memref<40x128xf32, #tpu.memory_space<vmem>>) dst(%dma_wait3A_71 : memref<40x128xf32, #tpu.memory_space<hbm>>)
    return
  }
}

module attributes {stable_mosaic.version = 14 : i64} {
  func.func @_scale_body(%arg0: memref<10000x128xf32, #tpu.memory_space<vmem>>, %arg1: memref<16x128xf32, #tpu.memory_space<vmem>>, %arg2: memref<10000x128xf32, #tpu.memory_space<vmem>>, %arg3: memref<16x128xf32, #tpu.memory_space<vmem>>) attributes {dimension_semantics = [], scalar_prefetch = 0 : i64, scratch_operands = 0 : i64, tpu.core_type = #tpu.core_type<tc>} {
    %get3A = arith.constant 0 : index
    %get3A_0 = arith.constant 0 : index
    %get3A_1 = vector.load %arg0[%get3A, %get3A_0] : memref<10000x128xf32, #tpu.memory_space<vmem>>, vector<10000x128xf32>
    %mul3A = arith.constant 11.3137083 : f32
    %mul3A_2 = vector.broadcast %mul3A : f32 to vector<10000x128xf32>
    %mul3A_3 = arith.mulf %get3A_1, %mul3A_2 : vector<10000x128xf32>
    %swap3A = arith.constant 0 : index
    %swap3A_4 = arith.constant 0 : index
    %swap3A_5 = vector.load %arg2[%swap3A, %swap3A_4] : memref<10000x128xf32, #tpu.memory_space<vmem>>, vector<10000x128xf32>
    tpu.vector_store %arg2[%swap3A, %swap3A_4], %mul3A_3 {strides = array<i32>} : memref<10000x128xf32, #tpu.memory_space<vmem>>, vector<10000x128xf32>,
    %get3A_6 = arith.constant 0 : index
    %get3A_7 = arith.constant 0 : index
    %get3A_8 = vector.load %arg1[%get3A_6, %get3A_7] : memref<16x128xf32, #tpu.memory_space<vmem>>, vector<16x128xf32>
    %mul3A_9 = arith.constant 11.3137083 : f32
    %mul3A_10 = vector.broadcast %mul3A_9 : f32 to vector<16x128xf32>
    %mul3A_11 = arith.mulf %get3A_8, %mul3A_10 : vector<16x128xf32>
    %swap3A_12 = arith.constant 0 : index
    %swap3A_13 = arith.constant 0 : index
    %swap3A_14 = vector.load %arg3[%swap3A_12, %swap3A_13] : memref<16x128xf32, #tpu.memory_space<vmem>>, vector<16x128xf32>
    tpu.vector_store %arg3[%swap3A_12, %swap3A_13], %mul3A_11 {strides = array<i32>} : memref<16x128xf32, #tpu.memory_space<vmem>>, vector<16x128xf32>,
    return
  }
}

</mosaic_0001>

<sc_bundles>
// kernel: kernel.4.cloned.1.call-start
scs
__scs_entry_jumppad:
0x0: {  	(pc) =	sbr.rel $0x88, $3  }
0x1: {  	(tag) =	ssettag $0x0;
	lr =	simm.s32 $0x1  }
0x2: {  	[smem:$0x3F9D] =	sst lr;
	_ =	strace $0xD0000000  }
0x3: {  	_ = 	snop  }
0x4: {  	_ = 	snop  }
0x5: {  	_ = 	snop  }
0x6: {  	_ = 	snop  }
0x7: {  	_ = 	snop  }
__scs_overlays_trampoline_lowered:
0x8: {  	[smem:$0x3FAC] =	sst s0  }
0x9: {  	[smem:$0x3FAD] =	sst s1  }
0xa: {  	[smem:$0x3FAE] =	sst s2  }
0xb: {  	[smem:$0x3FAF] =	sst s3  }
0xc: {  	[smem:$0x3FB0] =	sst s4  }
0xd: {  	[smem:$0x3FB1] =	sst s5  }
0xe: {  	[smem:$0x3FB2] =	sst s6  }
0xf: {  	[smem:$0x3FB3] =	sst s7  }
0x10: {  	[smem:$0x3FB4] =	sst s8  }
0x11: {  	[smem:$0x3FB5] =	sst s9;
	s0 =	simm.s32 @!p0 $0x0  }
0x12: {  	s1 =	sld [smem:$0x3F9B];
	s0 =	simm.s32 @p0 $0x1  }
0x13: {  	[smem:$0x3FB6] =	sst s0;
	s0 =	simm.s32 @!p1 $0x0  }
0x14: {  	s2 =	sld [smem:$0x3F9A];
	s0 =	simm.s32 @p1 $0x1  }
0x15: {  	[smem:$0x3FB7] =	sst s0;
	s0 =	simm.s32 @!p2 $0x0  }
0x16: {  	s3 =	sld [smem:$0x3FDB];
	s0 =	simm.s32 @p2 $0x1  }
0x17: {  	s4 =	simm.s32 $0x1BF5;
	[smem:$0x3FB9] =	sst s0  }
0x18: {  	s0 =	sld [smem:$0x3F9C];
	_ =	swait.ge [sflag:s4], $0x0  }
0x19: {  	s7 =	sld [smem:$0x3F9D]  }
0x1a: {  	s8 =	sadd.s32 $0xFFFFE003, lr  }
0x1b: {  	s9 =	sadd.s32 $0xFFFFFEF7, lr;
	s5 =	simm.s32 $0xFFFFFFFF;
	p2 =	slt.u32 s8, $0xFFFFF086  }
0x1c: {  	p1 =	slt.u32 s9, $0xF7A;
	s5 =	simm.s32 @!p2 $0x0  }
0x1d: {  	s5 =	simm.s32 @p1 $0x1;
	p0 =	seq.s32 s7, s2  }
0x1e: {  	s7 =	smul.u32 @!p0 $0xF7A, s2;
	p2 =	seq.s32 @!p0 s5, $0x0  }
0x1f: {  	s9 =	smul.u32 $0xF7A, s1;
	s8 =	simm.s32 @!p0 $0x1BF5;
	p2 =	por !p2, p0  }
0x20: {  	[sflag:s8] =	ssyncset.s32 @!p0 $0xFFFFF086;
	s6 =	sadd.s32 @!p0 s3, s7;
	s7 =	simm.s32 @!p0 $0x108  }
0x21: {  	s3 =	sadd.s32 s3, s9;
	s6 =	sadd.s32 @!p0 $0x88, s6;
	s7 =	simm.s32 @p2 $0x1082  }
0x22: {  	[simem:s7], [sflag:s8] =	dma.local @!p0 [hbm:s6], $0xF7A  }
0x23: {  	s9 =	sor.u32 $0xD0000000, s2;
	s6 =	simm.s32 $0x108;
	_ =	swait.ge @!p0 [sflag:s8], $0x0  }
0x24: {  	s3 =	sadd.s32 $0x88, s3;
	s6 =	simm.s32 @!p1 $0x1082;
	[sflag:s4] =	ssyncset.s32 $0xFFFFF086  }
0x25: {  	[simem:s6], [sflag:s4] =	dma.local [hbm:s3], $0xF7A  }
0x26: {  	[smem:$0x3F9D] =	sst s1;
	(tag) =	ssettag s2;
	_ =	strace s9  }
0x27: {  	s1 =	sld [smem:$0x3FAD]  }
0x28: {  	s2 =	sld [smem:$0x3FAE]  }
0x29: {  	s4 =	sld [smem:$0x3FB0]  }
0x2a: {  	p0 =	seq.s32 s5, $0x0;
	s5 =	sld [smem:$0x3FB1]  }
0x2b: {  	s6 =	sld [smem:$0x3FB2]  }
0x2c: {  	s7 =	sld [smem:$0x3FB3]  }
0x2d: {  	s3 =	simm.s32 $0x108;
	s8 =	sld [smem:$0x3FB4]  }
0x2e: {  	s3 =	simm.s32 @!p0 $0x1082;
	s9 =	sld [smem:$0x3FB5]  }
0x2f: {  	lr =	sadd.s32 s0, s3;
	s0 =	sld [smem:$0x3FAC]  }
0x30: {  	s3 =	sld [smem:$0x3FAF]  }
0x31: {  	[smem:$0x3FB8] =	sst s10  }
0x32: {  	s10 =	sld [smem:$0x3FB6];
	_ =	sdelay $0x3  }
0x33: {  	p0 =	seq.s32 s10, $0x1;
	s10 =	sld [smem:$0x3FB8];
	_ =	sdelay $0x3  }
0x34: {  	[smem:$0x3FB8] =	sst s10  }
0x35: {  	s10 =	sld [smem:$0x3FB7];
	_ =	sdelay $0x3  }
0x36: {  	p1 =	seq.s32 s10, $0x1;
	s10 =	sld [smem:$0x3FB8];
	_ =	sdelay $0x3  }
0x37: {  	[smem:$0x3FB8] =	sst s10  }
0x38: {  	s10 =	sld [smem:$0x3FB9]  }
0x39: {  	_ = 	snop;
	(pc) =	sbr.ind lr, $3  }
0x3a: {  	_ = 	snop  }
0x3b: {  	_ = 	snop  }
0x3c: {  	p2 =	seq.s32 s10, $0x1;
	s10 =	sld [smem:$0x3FB8]  }
0x3d: {  	_ =	shalt  }
0x3e: {  	_ =	shalt  }
0x3f: {  	_ =	shalt  }
0x40: {  	_ =	shalt  }
0x41: {  	_ =	shalt  }
0x42: {  	_ =	shalt  }
0x43: {  	_ =	shalt  }
0x44: {  	_ =	shalt  }
0x45: {  	_ =	shalt  }
0x46: {  	_ =	shalt  }
0x47: {  	_ =	shalt  }
0x48: {  	_ =	shalt  }
0x49: {  	_ =	shalt  }
0x4a: {  	_ =	shalt  }
0x4b: {  	_ =	shalt  }
0x4c: {  	_ =	shalt  }
0x4d: {  	_ =	shalt  }
0x4e: {  	_ =	shalt  }
0x4f: {  	_ =	shalt  }
0x50: {  	_ =	shalt  }
0x51: {  	_ =	shalt  }
0x52: {  	_ =	shalt  }
0x53: {  	_ =	shalt  }
0x54: {  	_ =	shalt  }
0x55: {  	_ =	shalt  }
0x56: {  	_ =	shalt  }
0x57: {  	_ =	shalt  }
0x58: {  	_ =	shalt  }
0x59: {  	_ =	shalt  }
0x5a: {  	_ =	shalt  }
0x5b: {  	_ =	shalt  }
0x5c: {  	_ =	shalt  }
0x5d: {  	_ =	shalt  }
0x5e: {  	_ =	shalt  }
0x5f: {  	_ =	shalt  }
0x60: {  	_ =	shalt  }
0x61: {  	_ =	shalt  }
0x62: {  	_ =	shalt  }
0x63: {  	_ =	shalt  }
0x64: {  	_ =	shalt  }
0x65: {  	_ =	shalt  }
0x66: {  	_ =	shalt  }
0x67: {  	_ =	shalt  }
0x68: {  	_ =	shalt  }
0x69: {  	_ =	shalt  }
0x6a: {  	_ =	shalt  }
0x6b: {  	_ =	shalt  }
0x6c: {  	_ =	shalt  }
0x6d: {  	_ =	shalt  }
0x6e: {  	_ =	shalt  }
0x6f: {  	_ =	shalt  }
0x70: {  	_ =	shalt  }
0x71: {  	_ =	shalt  }
0x72: {  	_ =	shalt  }
0x73: {  	_ =	shalt  }
0x74: {  	_ =	shalt  }
0x75: {  	_ =	shalt  }
0x76: {  	_ =	shalt  }
0x77: {  	_ =	shalt  }
0x78: {  	_ =	shalt  }
0x79: {  	_ =	shalt  }
0x7a: {  	_ =	shalt  }
0x7b: {  	_ =	shalt  }
0x7c: {  	_ =	shalt  }
0x7d: {  	_ =	shalt  }
0x7e: {  	_ =	shalt  }
0x7f: {  	_ =	shalt  }
0x80: {  	_ =	shalt  }
0x81: {  	_ =	shalt  }
0x82: {  	_ =	shalt  }
0x83: {  	_ =	shalt  }
0x84: {  	_ =	shalt  }
0x85: {  	_ =	shalt  }
0x86: {  	_ =	shalt  }
0x87: {  	_ =	shalt  }
.Lfunc_end0:
.L_simem_size_0:
called_computation_lowered:
.L_overlay_start_0:
0x88: {  	s2 =	sld [smem:$0x3FD9]  }
0x89: {  	s3 =	sld [smem:$0x3FFE];
	_ =	sdelay $0x1  }
0x8a: {  	s1 =	srdreg.scid  }
0x8b: {  	s0 =	sand.u32 $0x1, s1  }
0x8c: {  	s14 =	sshll.u32 s0, $0xA;
	s2 =	sadd.s32 s3, s2  }
0x8d: {  	s2 =	sadd.s32 s2, s14  }
0x8e: {  	[smem:$0x3FC4] =	sst s2  }
0x8f: {  	_ = 	snop  }
0x90: {  	s2 =	sld [smem:$0x3FD0];
	_ =	sdelay $0x1  }
0x91: {  	s15 =	sld [smem:$0x3FC9]  }
0x92: {  	s5 =	simm.s32 $0xA;
	s6 =	simm.s32 $0x10;
	s4 =	sld [smem:$0x3FC8]  }
0x93: {  	[smem:s6], [sflag:s5] =	dma.local [hbm:s2], $0x1  }
0x94: {  	_ =	swait.eq [sflag:s5], $0x1  }
0x95: {  	[sflag:s5] =	ssyncset.done $0x0  }
0x96: {  	s16 =	sld [smem:$0x10];
	[sflag:s5] =	ssyncadd.s32 $0xFFFFFFFF  }
0x97: {  	s17 =	sld [smem:$0x11];
	(tm) =	ssettm $0x1  }
0x98: {  	s18 =	sld [smem:$0x3FFB];
	_ =	sdelay $0x3  }
0x99: {  	_ =	strace s18  }
0x9a: {  	s6 =	sld [smem:$0x3FFC];
	_ =	sdelay $0x3  }
0x9b: {  	_ =	strace s6  }
0x9c: {  	s6 =	sld [smem:$0x3FFD];
	_ =	sdelay $0x3  }
0x9d: {  	_ =	strace s6  }
0x9e: {  	_ =	strace $0x8FFFFFFF  }
0x9f: {  	s19 =	sld [smem:$0x3FDB];
	_ =	sdelay $0x1  }
0xa0: {  	s7 =	simm.s32 $_scs_section_size  }
0xa1: {  	s8 =	simm.s32 $_size__tile_overlayer_lowered;
	s9 =	simm.s32 $_tile_overlayer_lowered  }
0xa2: {  	s22 =	simm.s32 $0x1BFF;
	s21 =	sshll.u32 s9, $0x1;
	s6 =	sadd.s32 s7, s19  }
0xa3: {  	s10 =	simm.s32 $0x0;
	s20 =	sshll.u32 s8, $0x1;
	s8 =	sadd.s32 s21, s6  }
0xa4: {  	[timem:s10], [sflag:s22] =	dma.local [hbm:s8], s20  }
0xa5: {  	_ =	swait.ge [sflag:s22], s20  }
0xa6: {  	s7 =	ssub.s32 $0x0, s20;
	[sflag:s22] =	ssyncset.done $0x0  }
0xa7: {  	[sflag:s22] =	ssyncadd.s32 s7;
	_ =	sdelay $0x1  }
0xa8: {  	s23 =	simm.s32 $0x1B8B  }
0xa9: {  	_ =	swait.ge [sflag:s23], $0x1  }
0xaa: {  	[sflag:s23] =	ssyncset.done $0x0  }
0xab: {  	s25 =	simm.s32 $0x1B8E;
	s24 =	sld [smem:$0x3FFE];
	[sflag:s23] =	ssyncadd.s32 $0xFFFFFFFF  }
0xac: {  	s26 =	simm.s32 $execute0_lowered;
	[smem:$0x3FD2] =	sst s25  }
0xad: {  	s8 =	sshll.u32 s26, $0x1;
	_ =	strace $0x80000046;
	[dreg:$0x1] =	wrdreg $0xFFFFFFFF  }
0xae: {  	s28 =	simm.s32 $_size_execute0_lowered;
	s6 =	sadd.s32 s6, s8;
	[dreg:$0x0] =	wrdreg $0x0  }
0xaf: {  	s8 =	sshll.u32 s28, $0x1;
	[dreg:$0x2] =	wrdreg s6  }
0xb0: {  	[dreg:$0x3] =	wrdreg s8  }
0xb1: {  	[dreg:$0x4] =	wrdreg $0xC0  }
0xb2: {  	_ =	task [dreg:s10], $0x5FFFF  }
0xb3: {  	[dreg:$0x1] =	wrdreg $0xFFFFFFFF  }
0xb4: {  	[dreg:$0x0] =	wrdreg $0x60  }
0xb5: {  	[dreg:$0x2] =	wrdreg s15  }
0xb6: {  	[dreg:$0x3] =	wrdreg s4  }
0xb7: {  	[dreg:$0x4] =	wrdreg s24  }
0xb8: {  	[dreg:$0x5] =	wrdreg s16  }
0xb9: {  	[dreg:$0x6] =	wrdreg s17  }
0xba: {  	[dreg:$0x7] =	wrdreg $0x31000  }
0xbb: {  	[dreg:$0x8] =	wrdreg $0x9  }
0xbc: {  	_ =	task.clear_ibuf [dreg:s10], $0x9FFFF;
	_ =	strace $0x90000046  }
0xbd: {  	s29 =	simm.s32 $0x9;
	_ =	strace $0x80000048  }
0xbe: {  	_ =	swait.ge [sflag:s29], $0x1  }
0xbf: {  	[sflag:s29] =	ssyncadd.s32 $0xFFFFFFFF  }
0xc0: {  	_ =	strace $0x90000048  }
0xc1: {  	_ =	sfence  }
0xc2: {  	s30 =	sld [smem:$0x0];
	_ =	sdelay $0x2  }
0xc3: {  	s31 =	sshll.u32 s1, $0xD;
	s1 =	sshrl.u32 s1, $0x2  }
0xc4: {  	s3 =	sand.u32 $0x4000, s31;
	s1 =	sadd.s32 s1, s30  }
0xc5: {  	s0 =	sor.u32 s3, s0;
	s1 =	sshll.u32 s1, $0x11  }
0xc6: {  	s0 =	sor.u32 s1, s0  }
0xc7: {  	s0 =	sadd.s32 $0x8F2B, s0  }
0xc8: {  	[sflag:s0] =	ssyncadd.remote.s32 $0x1  }
0xc9: {  	_ =	sfence.sel $0xFFFF  }
0xca: {  	[dreg:$0x0] =	wrdreg $0xFFFFFFFF;
	(pc) =	sbr.abs _section_cstart, $3  }
0xcb: {  	[dreg:$0x1] =	wrdreg $0xFFFFFFFF  }
0xcc: {  	_ =	task.clear_ibuf [dreg:s10], $0x2FFFF;
	_ =	strace $0x9FFFFFFF  }
0xcd: {  	(tm) =	ssettm $0x7FFFFFFF  }
tec
execute0_lowered:
.L_overlay_start_1:
0x0: {  	(tag) =	ssettag $0x1  }
0x1: {  	s0 =	rddreg [dreg:$0x0]  }
0x2: {  	s5 =	rddreg [dreg:$0x1]  }
0x3: {  	s4 =	rddreg [dreg:$0x2]  }
0x4: {  	s6 =	rddreg [dreg:$0x3]  }
0x5: {  	s7 =	rddreg [dreg:$0x4]  }
0x6: {  	s1 =	rddreg [dreg:$0x5]  }
0x7: {  	s3 =	srdreg.scid;
	s8 =	stileid.u32  }
0x8: {  	s9 =	sand.u32 $0x1, s3;
	s25 =	sshll.u32 s8, $0x1;
	s21 =	smul.u32 $0x4E200, s8  }
0x9: {  	s2 =	simm.s32 $0x0;
	s10 =	sor.u32 s9, s25;
	s23 =	smul.u32 $0x27100, s9  }
0xa: {  	s29 =	simm.s32 $0x19980;
	s30 =	simm.s32 $0x1;
	s12 =	smul.u32 $0x2710, s10  }
0xb: {  	s31 =	simm.s32 $0x7;
	s28 =	simm.s32 $0x8;
	s14 =	smul.u32 $0xA000, s10  }
0xc: {  	[smem:$0x7FF] =	sst s2;
	s3 =	sadd.s32 $0x1000, s4;
	s26 =	smul.u32 $0x28, s10  }
0xd: {  	s4 =	sadd.s32 $0x28200, s4;
	p0 =	sne.s32 s8, $0x0;
	s15 =	smul.u32 $0x1400, s10  }
0xe: {  	s8 =	simm.s32 $0x0;
	s11 =	ssub.s32 $0x2, s9;
	s17 =	smul.u32 $0x138800, s10  }
0xf: {  	_ =	strace $0x80000047;
	s13 =	sshrl.u32 s11, $0x1;
	s20 =	smul.u32 $0x27100, s10  }
0x10: {  	s25 =	sadd.s32 s21, s7;
	p1 =	seq.s32 s10, $0x1F;
	s21 =	simm.s32 $0x1AD80  }
0x11: {  	s11 =	ssub.s32 s11, s13;
	s12 =	sshrl.u32 s12, $0x3;
	s14 =	sshrl.u32 s14, $0x3  }
0x12: {  	s13 =	sadd.s32 s0, s26;
	s18 =	sadd.s32 s6, s15;
	s0 =	sadd.s32 $0x4D8, s0  }
0x13: {  	s19 =	sshrl.u32 s17, $0x3;
	s24 =	smax.u32 s11, $0x1;
	[dreg:$0x8] =	wrdreg s13  }
0x14: {  	s5 =	sadd.s32 s5, s12;
	s16 =	sadd.s32 s6, s14;
	[dreg:$0x9] =	wrdreg s18  }
0x15: {  	[dreg:$0xb] =	wrdreg s0;
	s6 =	sadd.s32 $0x26C00, s6;
	s0 =	sadd.s32 s7, s19  }
0x16: {  	[dreg:$0xf] =	wrdreg s24;
	s14 =	sadd.s32 s7, s20;
	s19 =	simm.s32 $0x180  }
0x17: {  	s20 =	simm.s32 $0x9;
	s24 =	simm.s32 $0x2;
	[dreg:$0x7] =	wrdreg s5  }
0x18: {  	s7 =	simm.s32 $0x6;
	s5 =	sadd.s32 $0xA00, s16;
	[dreg:$0xc] =	wrdreg s6  }
0x19: {  	s22 =	sadd.s32 $0x25800, s0;
	s0 =	sadd.s32 $0x26E80, s0;
	[dreg:$0xa] =	wrdreg s5  }
0x1a: {  	s26 =	sadd.s32 $0x1680, s14;
	s16 =	sadd.s32 $0x1900, s14;
	[dreg:$0xd] =	wrdreg s22  }
0x1b: {  	s17 =	sadd.s32 $0x2F80, s14;
	s6 =	simm.s32 $0x5;
	[dreg:$0xe] =	wrdreg s0  }
0x1c: {  	[dreg:$0x10] =	wrdreg s26;
	s0 =	sadd.s32 s23, s25;
	s22 =	simm.s32 $0x168  }
0x1d: {  	s23 =	simm.s32 $0x3180;
	s25 =	simm.s32 $0xE580;
	s26 =	simm.s32 $0x28  }
0x1e: {  	s5 =	simm.s32 $0x4;
	s18 =	sadd.s32 $0x3200, s0;
	s0 =	simm.s32 $0x3  }
.LBB2_1:
0x1f: {  	s9 =	rddreg [dreg:$0x7]  }
0x20: {  	[tilespmem:s19], [sflag:$0x9] =	stream.linear.gather [hbm4b:s9+s2], $0x2710, $0x38;
	[tilespmem:$0x1C180] =	vst v63  }
0x21: {  	_ =	swait.ge [sflag:s20], $0x2710  }
0x22: {  	[sflag:s20] =	ssyncset.done $0x0  }
0x23: {  	s13 =	simm.s32 $0x2900;
	[sflag:s20] =	ssyncadd.s32 $0xFFFFD8F0  }
0x24: {  	[tilespmem:s13], [sflag:$0x9] =	stream.linear.gather [hbm4b:s4+s2], $0x800, $0x38;
	[tilespmem:$0x1C180] =	vst v63  }
0x25: {  	_ =	swait.ge [sflag:s20], $0x800  }
0x26: {  	[sflag:s20] =	ssyncset.done $0x0  }
0x27: {  	s10 =	simm.s32 @!p0 $0x1C09;
	s9 =	sshrl.u32 @!p0 s1, $0x3;
	[sflag:s20] =	ssyncadd.s32 $0xFFFFF800  }
0x28: {  	[spmem:s9], [sflag:s10] =	dma.local @!p0 [hbm:s4], $0x100  }
0x29: {  	s9 =	simm.s32 @!p0 $0x9  }
0x2a: {  	_ =	swait.ge @!p0 [sflag:s9], $0x100  }
0x2b: {  	[sflag:s9] =	ssyncset.done @!p0 $0x0  }
0x2c: {  	[sflag:s9] =	ssyncadd.s32 @!p0 $0xFFFFFF00  }
0x2d: {  	[bflag:$0x0] =	sbarrier.arrive $0xFFFF  }
0x2e: {  	s9 =	simm.s32 @p1 $0x0;
	s10 =	rddreg [dreg:$0xb]  }
0x2f: {  	[tilespmem:s9], [sflag:$0x9] =	stream.linear.gather @p1 [hbm4b:s10+s9], $0x50, $0x38;
	[tilespmem:$0x1C180] =	vst v63  }
0x30: {  	s10 =	simm.s32 @p1 $0x9  }
0x31: {  	_ =	swait.ge @p1 [sflag:s10], $0x50  }
0x32: {  	[sflag:s10] =	ssyncset.done @p1 $0x0  }
0x33: {  	s11 =	simm.s32 @p1 $0x3180;
	[sflag:s10] =	ssyncadd.s32 @p1 $0xFFFFFFB0;
	s10 =	simm.s32 @p1 $0x50  }
0x34: {  	[tilespmem:s11], [sflag:$0x1] =	stream.indirect.gather @p1 [hbm4b:s3+s10], $0x80, s9, s10, $0xb8;
	[tilespmem:$0x1C180] =	vst v63  }
0x35: {  	s10 =	simm.s32 @p1 $0x1  }
0x36: {  	_ =	swait.ge @p1 [sflag:s10], $0x2800  }
0x37: {  	[sflag:s10] =	ssyncset.done @p1 $0x0  }
0x38: {  	s12 =	rddreg [dreg:$0xc];
	[sflag:s10] =	ssyncadd.s32 @p1 $0xFFFFD800  }
0x39: {  	[hbm4b:s12+s9] =	stream.linear.scatter @p1 [tilespmem:s11], [sflag:$0x1], $0x2800, $0x38;
	[tilespmem:$0x1C180] =	vst v63  }
0x3a: {  	_ =	swait.ge @p1 [sflag:s10], $0x2800  }
0x3b: {  	[sflag:s10] =	ssyncset.done @p1 $0x0  }
0x3c: {  	s9 =	simm.s32 @!p1 $0x0;
	[sflag:s10] =	ssyncadd.s32 @p1 $0xFFFFD800;
	s10 =	rddreg [dreg:$0x8]  }
0x3d: {  	[tilespmem:s9], [sflag:$0x9] =	stream.linear.gather @!p1 [hbm4b:s10+s9], $0x140, $0x38;
	[tilespmem:$0x1C180] =	vst v63  }
0x3e: {  	s10 =	simm.s32 @!p1 $0x9  }
0x3f: {  	_ =	swait.ge @!p1 [sflag:s10], $0x140  }
0x40: {  	[sflag:s10] =	ssyncset.done @!p1 $0x0  }
0x41: {  	s11 =	simm.s32 @!p1 $0x3180;
	[sflag:s10] =	ssyncadd.s32 @!p1 $0xFFFFFEC0;
	s10 =	simm.s32 @!p1 $0xA0  }
0x42: {  	[tilespmem:s11], [sflag:$0x1] =	stream.indirect.gather @!p1 [hbm4b:s3+s10], $0x80, s9, s10, $0xb8;
	[tilespmem:$0x1C180] =	vst v63  }
0x43: {  	s12 =	simm.s32 @!p1 $0xE580  }
0x44: {  	[tilespmem:s12], [sflag:$0x2] =	stream.indirect.gather @!p1 [hbm4b:s3+s10], $0x80, s10, s10, $0xb8;
	[tilespmem:$0x1C180] =	vst v63  }
0x45: {  	s10 =	simm.s32 @!p1 $0x1  }
0x46: {  	_ =	swait.ge @!p1 [sflag:s10], $0x5000  }
0x47: {  	[sflag:s10] =	ssyncset.done @!p1 $0x0  }
0x48: {  	s13 =	simm.s32 @!p1 $0x2;
	[sflag:s10] =	ssyncadd.s32 @!p1 $0xFFFFB000  }
0x49: {  	_ =	swait.ge @!p1 [sflag:s13], $0x5000  }
0x4a: {  	[sflag:s13] =	ssyncset.done @!p1 $0x0  }
0x4b: {  	s15 =	rddreg [dreg:$0x9];
	[sflag:s13] =	ssyncadd.s32 @!p1 $0xFFFFB000  }
0x4c: {  	[hbm4b:s15+s9] =	stream.linear.scatter @!p1 [tilespmem:s11], [sflag:$0x1], $0x5000, $0x38;
	[tilespmem:$0x1C180] =	vst v63  }
0x4d: {  	s11 =	rddreg [dreg:$0xa]  }
0x4e: {  	[hbm4b:s11+s9] =	stream.linear.scatter @!p1 [tilespmem:s12], [sflag:$0x2], $0x5000, $0x38;
	[tilespmem:$0x1C180] =	vst v63  }
0x4f: {  	_ =	swait.ge @!p1 [sflag:s10], $0x5000  }
0x50: {  	[sflag:s10] =	ssyncset.done @!p1 $0x0  }
0x51: {  	[sflag:s10] =	ssyncadd.s32 @!p1 $0xFFFFB000  }
0x52: {  	_ =	swait.ge @!p1 [sflag:s13], $0x5000  }
0x53: {  	[sflag:s13] =	ssyncset.done @!p1 $0x0  }
0x54: {  	[sflag:s13] =	ssyncadd.s32 @!p1 $0xFFFFB000  }
0x55: {  	[tilespmem:s23], [sflag:$0x1] =	stream.indirect.gather [spmem:s1], $0x80, s19, s22, $0xb8;
	[tilespmem:$0x1C180] =	vst v63  }
0x56: {  	s15 =	simm.s32 $0x310  }
0x57: {  	[tilespmem:s25], [sflag:$0x2] =	stream.indirect.gather [spmem:s1], $0x80, s15, s22, $0xb8;
	[tilespmem:$0x1C180] =	vst v63  }
0x58: {  	s10 =	simm.s32 $0x2E8  }
0x59: {  	[tilespmem:s29], [sflag:$0x7] =	stream.indirect.gather [spmem:s1], $0x80, s10, s26, $0xb8;
	[tilespmem:$0x1C180] =	vst v63  }
0x5a: {  	_ =	swait.ge [sflag:s30], $0xB400  }
0x5b: {  	[sflag:s30] =	ssyncset.done $0x0  }
0x5c: {  	[sflag:s30] =	ssyncadd.s32 $0xFFFF4C00  }
0x5d: {  	[hbm4b:s14+s2] =	stream.linear.scatter [tilespmem:s23], [sflag:$0x3], $0xB400, $0x38;
	[tilespmem:$0x1C180] =	vst v63  }
0x5e: {  	_ =	swait.ge [sflag:s31], $0x1400  }
0x5f: {  	[sflag:s31] =	ssyncset.done $0x0  }
0x60: {  	s11 =	rddreg [dreg:$0x10];
	[sflag:s31] =	ssyncadd.s32 $0xFFFFEC00  }
0x61: {  	[hbm4b:s11+s2] =	stream.linear.scatter [tilespmem:s29], [sflag:$0x5], $0x1400, $0x38;
	[tilespmem:$0x1C180] =	vst v63  }
0x62: {  	s12 =	simm.s32 $0x478  }
0x63: {  	[tilespmem:s21], [sflag:$0x8] =	stream.indirect.gather [spmem:s1], $0x80, s12, s26, $0xb8;
	[tilespmem:$0x1C180] =	vst v63  }
0x64: {  	_ =	swait.ge [sflag:s24], $0xB400  }
0x65: {  	[sflag:s24] =	ssyncset.done $0x0  }
0x66: {  	[sflag:s24] =	ssyncadd.s32 $0xFFFF4C00  }
0x67: {  	[hbm4b:s16+s2] =	stream.linear.scatter [tilespmem:s25], [sflag:$0x4], $0xB400, $0x38;
	[tilespmem:$0x1C180] =	vst v63  }
0x68: {  	_ =	swait.ge [sflag:s28], $0x1400  }
0x69: {  	[sflag:s28] =	ssyncset.done $0x0  }
0x6a: {  	[sflag:s28] =	ssyncadd.s32 $0xFFFFEC00  }
0x6b: {  	[hbm4b:s17+s2] =	stream.linear.scatter [tilespmem:s21], [sflag:$0x6], $0x1400, $0x38;
	[tilespmem:$0x1C180] =	vst v63  }
0x6c: {  	_ =	swait.ge [sflag:s0], $0xB400  }
0x6d: {  	[sflag:s0] =	ssyncset.done $0x0  }
0x6e: {  	s13 =	simm.s32 $0x4A0;
	[sflag:s0] =	ssyncadd.s32 $0xFFFF4C00  }
0x6f: {  	[tilespmem:s23], [sflag:$0x1] =	stream.indirect.gather [spmem:s1], $0x80, s13, s22, $0xb8;
	[tilespmem:$0x1C180] =	vst v63  }
0x70: {  	_ =	swait.ge [sflag:s5], $0xB400  }
0x71: {  	[sflag:s5] =	ssyncset.done $0x0  }
0x72: {  	[sflag:s5] =	ssyncadd.s32 $0xFFFF4C00  }
0x73: {  	_ =	swait.ge [sflag:s6], $0x1400  }
0x74: {  	[sflag:s6] =	ssyncset.done $0x0  }
0x75: {  	s15 =	simm.s32 $0x630;
	[sflag:s6] =	ssyncadd.s32 $0xFFFFEC00  }
0x76: {  	[tilespmem:s25], [sflag:$0x2] =	stream.indirect.gather [spmem:s1], $0x80, s15, s22, $0xb8;
	[tilespmem:$0x1C180] =	vst v63  }
0x77: {  	s10 =	simm.s32 $0x608  }
0x78: {  	[tilespmem:s29], [sflag:$0x7] =	stream.indirect.gather [spmem:s1], $0x80, s10, s26, $0xb8;
	[tilespmem:$0x1C180] =	vst v63  }
0x79: {  	_ =	swait.ge [sflag:s30], $0xB400  }
0x7a: {  	[sflag:s30] =	ssyncset.done $0x0  }
0x7b: {  	[sflag:s30] =	ssyncadd.s32 $0xFFFF4C00  }
0x7c: {  	[hbm4b:s18+s2] =	stream.linear.scatter [tilespmem:s23], [sflag:$0x3], $0xB400, $0x38;
	[tilespmem:$0x1C180] =	vst v63  }
0x7d: {  	_ =	swait.ge [sflag:s31], $0x1400  }
0x7e: {  	[sflag:s31] =	ssyncset.done $0x0  }
0x7f: {  	s11 =	sadd.s32 $0x1680, s18;
	[sflag:s31] =	ssyncadd.s32 $0xFFFFEC00  }
0x80: {  	[hbm4b:s11+s2] =	stream.linear.scatter [tilespmem:s29], [sflag:$0x5], $0x1400, $0x38;
	[tilespmem:$0x1C180] =	vst v63  }
0x81: {  	_ =	swait.ge [sflag:s7], $0x1400  }
0x82: {  	[sflag:s7] =	ssyncset.done $0x0  }
0x83: {  	s12 =	simm.s32 $0x798;
	[sflag:s7] =	ssyncadd.s32 $0xFFFFEC00  }
0x84: {  	[tilespmem:s21], [sflag:$0x8] =	stream.indirect.gather [spmem:s1], $0x80, s12, s26, $0xb8;
	[tilespmem:$0x1C180] =	vst v63  }
0x85: {  	_ =	swait.ge [sflag:s24], $0xB400  }
0x86: {  	[sflag:s24] =	ssyncset.done $0x0  }
0x87: {  	s13 =	sadd.s32 $0x1900, s18;
	[sflag:s24] =	ssyncadd.s32 $0xFFFF4C00  }
0x88: {  	[hbm4b:s13+s2] =	stream.linear.scatter [tilespmem:s25], [sflag:$0x4], $0xB400, $0x38;
	[tilespmem:$0x1C180] =	vst v63  }
0x89: {  	_ =	swait.ge [sflag:s28], $0x1400  }
0x8a: {  	[sflag:s28] =	ssyncset.done $0x0  }
0x8b: {  	s15 =	sadd.s32 $0x2F80, s18;
	[sflag:s28] =	ssyncadd.s32 $0xFFFFEC00  }
0x8c: {  	[hbm4b:s15+s2] =	stream.linear.scatter [tilespmem:s21], [sflag:$0x6], $0x1400, $0x38;
	[tilespmem:$0x1C180] =	vst v63  }
0x8d: {  	_ =	swait.ge [sflag:s0], $0xB400  }
0x8e: {  	s9 =	simm.s32 $0xC80;
	[sflag:s0] =	ssyncset.done $0x0  }
0x8f: {  	s10 =	sadd.s32 $0x3200, s18;
	s11 =	simm.s32 $0x7C0;
	[sflag:s0] =	ssyncadd.s32 $0xFFFF4C00  }
.LBB2_2:
0x90: {  	[tilespmem:s23], [sflag:$0x1] =	stream.indirect.gather [spmem:s1], $0x80, s11, s22, $0xb8;
	[tilespmem:$0x1C180] =	vst v63  }
0x91: {  	s11 =	smov.u32 s9  }
0x92: {  	p2 =	sne.s32 s9, $0x7D00;
	s9 =	sadd.s32 $0xC80, s9;
	_ =	swait.ge [sflag:s5], $0xB400  }
0x93: {  	[sflag:s5] =	ssyncset.done $0x0  }
0x94: {  	[sflag:s5] =	ssyncadd.s32 $0xFFFF4C00  }
0x95: {  	_ =	swait.ge [sflag:s6], $0x1400  }
0x96: {  	s11 =	sshra.s32 s11, $0x2;
	[sflag:s6] =	ssyncset.done $0x0  }
0x97: {  	s12 =	sadd.s32 $0x630, s11;
	[sflag:s6] =	ssyncadd.s32 $0xFFFFEC00  }
0x98: {  	[tilespmem:s25], [sflag:$0x2] =	stream.indirect.gather [spmem:s1], $0x80, s12, s22, $0xb8;
	[tilespmem:$0x1C180] =	vst v63  }
0x99: {  	s12 =	sadd.s32 $0x608, s11  }
0x9a: {  	[tilespmem:s29], [sflag:$0x7] =	stream.indirect.gather [spmem:s1], $0x80, s12, s26, $0xb8;
	[tilespmem:$0x1C180] =	vst v63  }
0x9b: {  	_ =	swait.ge [sflag:s30], $0xB400  }
0x9c: {  	[sflag:s30] =	ssyncset.done $0x0  }
0x9d: {  	[sflag:s30] =	ssyncadd.s32 $0xFFFF4C00  }
0x9e: {  	[hbm4b:s10+s2] =	stream.linear.scatter [tilespmem:s23], [sflag:$0x3], $0xB400, $0x38;
	[tilespmem:$0x1C180] =	vst v63  }
0x9f: {  	_ =	swait.ge [sflag:s31], $0x1400  }
0xa0: {  	[sflag:s31] =	ssyncset.done $0x0  }
0xa1: {  	s12 =	sadd.s32 $0x1680, s10;
	[sflag:s31] =	ssyncadd.s32 $0xFFFFEC00  }
0xa2: {  	[hbm4b:s12+s2] =	stream.linear.scatter [tilespmem:s29], [sflag:$0x5], $0x1400, $0x38;
	[tilespmem:$0x1C180] =	vst v63  }
0xa3: {  	_ =	swait.ge [sflag:s7], $0x1400  }
0xa4: {  	[sflag:s7] =	ssyncset.done $0x0  }
0xa5: {  	s12 =	sadd.s32 $0x798, s11;
	[sflag:s7] =	ssyncadd.s32 $0xFFFFEC00  }
0xa6: {  	[tilespmem:s21], [sflag:$0x8] =	stream.indirect.gather [spmem:s1], $0x80, s12, s26, $0xb8;
	[tilespmem:$0x1C180] =	vst v63  }
0xa7: {  	_ =	swait.ge [sflag:s24], $0xB400  }
0xa8: {  	[sflag:s24] =	ssyncset.done $0x0  }
0xa9: {  	s12 =	sadd.s32 $0x1900, s10;
	[sflag:s24] =	ssyncadd.s32 $0xFFFF4C00  }
0xaa: {  	[hbm4b:s12+s2] =	stream.linear.scatter [tilespmem:s25], [sflag:$0x4], $0xB400, $0x38;
	[tilespmem:$0x1C180] =	vst v63  }
0xab: {  	_ =	swait.ge [sflag:s28], $0x1400  }
0xac: {  	[sflag:s28] =	ssyncset.done $0x0  }
.Ltmp0:
0xad: {  	s12 =	sadd.s32 $0x2F80, s10;
	[sflag:s28] =	ssyncadd.s32 $0xFFFFEC00;
	(pc) =	sbr.rel @p2 .LBB2_2-.Ltmp0, $4  }
0xae: {  	[hbm4b:s12+s2] =	stream.linear.scatter [tilespmem:s21], [sflag:$0x6], $0x1400, $0x38;
	[tilespmem:$0x1C180] =	vst v63  }
0xaf: {  	_ =	swait.ge [sflag:s0], $0xB400  }
0xb0: {  	[sflag:s0] =	ssyncset.done $0x0  }
0xb1: {  	s11 =	sadd.s32 $0x7C0, s11;
	s10 =	sadd.s32 $0x3200, s10;
	[sflag:s0] =	ssyncadd.s32 $0xFFFF4C00  }
0xb2: {  	[tilespmem:s23], [sflag:$0x1] =	stream.indirect.gather [spmem:s1], $0x80, s11, s22, $0xb8;
	[tilespmem:$0x1C180] =	vst v63  }
0xb3: {  	_ =	swait.ge [sflag:s6], $0x1400  }
0xb4: {  	[sflag:s6] =	ssyncset.done $0x0  }
0xb5: {  	s9 =	simm.s32 $0x2868;
	[sflag:s6] =	ssyncadd.s32 $0xFFFFEC00  }
0xb6: {  	[tilespmem:s29], [sflag:$0x7] =	stream.indirect.gather [spmem:s1], $0x80, s9, s26, $0xb8;
	[tilespmem:$0x1C180] =	vst v63  }
0xb7: {  	_ =	swait.ge [sflag:s30], $0xB400  }
0xb8: {  	[sflag:s30] =	ssyncset.done $0x0  }
0xb9: {  	s12 =	rddreg [dreg:$0xd];
	[sflag:s30] =	ssyncadd.s32 $0xFFFF4C00  }
0xba: {  	[hbm4b:s12+s2] =	stream.linear.scatter [tilespmem:s23], [sflag:$0x3], $0xB400, $0x38;
	[tilespmem:$0x1C180] =	vst v63  }
0xbb: {  	_ =	swait.ge [sflag:s31], $0x1400  }
0xbc: {  	[sflag:s31] =	ssyncset.done $0x0  }
0xbd: {  	s13 =	rddreg [dreg:$0xe];
	[sflag:s31] =	ssyncadd.s32 $0xFFFFEC00  }
0xbe: {  	[hbm4b:s13+s2] =	stream.linear.scatter [tilespmem:s29], [sflag:$0x5], $0x1400, $0x38;
	[tilespmem:$0x1C180] =	vst v63  }
0xbf: {  	_ =	swait.ge [sflag:s5], $0xB400  }
0xc0: {  	[sflag:s5] =	ssyncset.done $0x0  }
0xc1: {  	[sflag:s5] =	ssyncadd.s32 $0xFFFF4C00  }
0xc2: {  	_ =	swait.ge [sflag:s7], $0x1400  }
0xc3: {  	[sflag:s7] =	ssyncset.done $0x0  }
0xc4: {  	[sflag:s7] =	ssyncadd.s32 $0xFFFFEC00  }
0xc5: {  	_ =	swait.ge [sflag:s0], $0xB400  }
0xc6: {  	[sflag:s0] =	ssyncset.done $0x0  }
0xc7: {  	[sflag:s0] =	ssyncadd.s32 $0xFFFF4C00  }
0xc8: {  	_ =	swait.ge [sflag:s6], $0x1400  }
0xc9: {  	s8 =	sadd.s32 $0x1, s8;
	s15 =	rddreg [dreg:$0xf]  }
0xca: {  	p2 =	sne.s32 s8, s15  }
.Ltmp1:
0xcb: {  	_ = 	snop;
	(pc) =	sbr.rel @p2 .LBB2_1-.Ltmp1, $3  }
0xcc: {  	_ =	sdelay $0x1  }
0xcd: {  	[sflag:s6] =	ssyncset.done $0x0  }
0xce: {  	[sflag:s6] =	ssyncadd.s32 $0xFFFFEC00  }
0xcf: {  	_ =	sfence.sel $0x180000  }
0xd0: {  	[bflag:$0x0] =	sbarrier.arrive $0xFFFF  }
0xd1: {  	_ =	strace $0x90000047  }
0xd2: {  	[bflag:$0x2] =	sbarrier.arrive $0xFFFF  }
0xd3: {  	s0 =	rddreg [dreg:$0x6]  }
0xd4: {  	s0 =	sadd.s32 @!p0 $0x100000, s0  }
0xd5: {  	[sflag:s0] =	ssyncadd.tile.s32 @!p0 $0x1;
	_ =	shalt  }
.Lfunc_end2:
_tile_overlayer_lowered:
.L_overlay_start_2:
0xd6: {  	(tag) =	ssettag $0x2  }
0xd7: {  	s0 =	rddreg [dreg:$0x0];
	s2 =	stileid.u32  }
0xd8: {  	s1 =	rddreg [dreg:$0x1];
	p0 =	sne.s32 s2, $0x0  }
0xd9: {  	s3 =	rddreg [dreg:$0x2];
	[bflag:$0x3] =	sbarrier.arrive $0xFFFF;
	s2 =	simm.s32 @!p0 $0x1C09  }
0xda: {  	[timem:s3], [sflag:s2] =	dma.local @!p0 [hbm:s0], s1  }
0xdb: {  	s0 =	simm.s32 @!p0 $0x9  }
0xdc: {  	_ =	swait.ge @!p0 [sflag:s0], s1  }
0xdd: {  	s1 =	ssub.s32 @!p0 $0x0, s1;
	[sflag:s0] =	ssyncset.done @!p0 $0x0  }
0xde: {  	[sflag:s0] =	ssyncadd.s32 @!p0 s1  }
0xdf: {  	[bflag:$0x3] =	sbarrier.arrive $0xFFFF  }
0xe0: {  	_ =	shalt  }

</sc_bundles>
